<compile_context>
chip_gen: v7x
topology: tpu7x:2x2x1
jax: 0.10.2.dev20260603
libtpu: 0.0.44.dev20260713+nightly
codegen_flags: <defaults>
</compile_context>

<pallas_src>
import functools

import jax
import jax.numpy as jnp
from jax import lax
from jax.experimental import pallas as pl
from jax.experimental.pallas import tpu as pltpu
from jax.experimental.pallas import tpu_sc as plsc

_NUM_CAMERAS = 1000
_BATCH = 16384
_D = 16
_TBL = 1024
_RPT = 64
_NC = 2
_NS = 16
_NW = _NC * _NS
_BPW = _BATCH // _NW
_CHUNK = 128
_NCH = _BPW // _CHUNK

_SC_MESH = plsc.VectorSubcoreMesh(core_axis_name="c", subcore_axis_name="s")

_COS = (-0.5, 1 / 24, -1 / 720, 1 / 40320, -1 / 3628800)
_SBT = (-1 / 6, 1 / 120, -1 / 5040, 1 / 362880, -1 / 39916800)
_OMC = (-1 / 24, 1 / 720, -1 / 40320, 1 / 3628800, -1 / 479001600)


def _poly(u, c0, coeffs):
    acc = coeffs[-1]
    for c in reversed(coeffs[:-1]):
        acc = c + u * acc
    return c0 + u * acc


@functools.partial(
    pl.kernel,
    mesh=_SC_MESH,
    out_type=(
        jax.ShapeDtypeStruct((_BATCH, _D), jnp.float32),
        jax.ShapeDtypeStruct((_TBL, _D), jnp.float32),
    ),
    scratch_types=[
        pltpu.VMEM((_RPT * 6,), jnp.float32),
        pltpu.VMEM((_RPT, _D), jnp.float32),
        pltpu.VMEM((_BPW,), jnp.int32),
        pltpu.VMEM((_BPW, _D), jnp.float32),
        pltpu.SemaphoreType.DMA,
        pltpu.SemaphoreType.DMA,
        pltpu.SemaphoreType.DMA,
    ],
    compiler_params=pltpu.CompilerParams(
        use_tc_tiling_on_sc=False, needs_layout_passes=False),
)
def _fused_sc(pose_hbm, idx_hbm, out_hbm, tbl_hbm,
              pose_v, table_v, idx_v, rows_v, sem, wsem, isem):
    sid = lax.axis_index("s")
    cid = lax.axis_index("c")
    wid = sid * _NC + cid
    base = wid * _BPW
    idx_cp = pltpu.async_copy(idx_hbm.at[pl.ds(base, _BPW)], idx_v, isem)

    @pl.when(sid < _NS - 1)
    def _():
        pltpu.sync_copy(pose_hbm.at[pl.ds(sid * (_RPT * 6), _RPT * 6)], pose_v)

    @pl.when(sid == _NS - 1)
    def _():
        pltpu.sync_copy(pose_hbm.at[pl.ds((_NS - 1) * _RPT * 6, 240)],
                        pose_v.at[pl.ds(0, 240)])

    lanes = lax.iota(jnp.int32, 16)
    for v in range(_RPT // 16):
        b = 96 * v + 6 * lanes
        tx = plsc.load_gather(pose_v, [b])
        ty = plsc.load_gather(pose_v, [b + 1])
        tz = plsc.load_gather(pose_v, [b + 2])
        wx = plsc.load_gather(pose_v, [b + 3])
        wy = plsc.load_gather(pose_v, [b + 4])
        wz = plsc.load_gather(pose_v, [b + 5])
        u = wx * wx + wy * wy + wz * wz
        cosine = _poly(u, 1.0, _COS)
        sbt = _poly(u, 1.0, _SBT)
        omc = _poly(u, 0.5, _OMC)
        swx, swy, swz = sbt * wx, sbt * wy, sbt * wz
        owx, owy = omc * wx, omc * wy
        oxy, oxz, oyz = owx * wy, owx * wz, owy * wz
        vals = (
            owx * wx + cosine, oxy - swz, oxz + swy, tx,
            oxy + swz, owy * wy + cosine, oyz - swx, ty,
            oxz - swy, oyz + swx, omc * wz * wz + cosine, tz,
        )
        rows16 = 16 * v + lanes
        for j, val in enumerate(vals):
            plsc.store_scatter(
                table_v, [rows16, jnp.full((16,), j, jnp.int32)], val)

    @pl.when(sid < _NS - 1)
    def _():
        pltpu.sync_copy(table_v, tbl_hbm.at[pl.ds(sid * _RPT, _RPT)])

    @pl.when(sid == _NS - 1)
    def _():
        pltpu.sync_copy(table_v.at[pl.ds(0, 40)],
                        tbl_hbm.at[pl.ds((_NS - 1) * _RPT, 40)])

    plsc.subcore_barrier()

    idx_cp.wait()
    copies = [
        pltpu.async_copy(
            tbl_hbm.at[idx_v.at[pl.ds(j * _CHUNK, _CHUNK)]],
            rows_v.at[pl.ds(j * _CHUNK, _CHUNK)],
            sem,
        )
        for j in range(_NCH)
    ]
    writes = []
    for j in range(_NCH):
        copies[j].wait()
        writes.append(
            pltpu.async_copy(
                rows_v.at[pl.ds(j * _CHUNK, _CHUNK)],
                out_hbm.at[pl.ds(base + j * _CHUNK, _CHUNK)],
                wsem,
            )
        )
    for w in writes:
        w.wait()


def kernel(indices, pose_adjustment):
    pose_flat = pose_adjustment.astype(jnp.float32).reshape(_NUM_CAMERAS * 6)
    idx32 = indices.astype(jnp.int32)
    full, _ = _fused_sc(pose_flat, idx32)
    return full.reshape(_BATCH, 4, 4)[:, :3, :]

# --- scband reference (transcript-rebuilt; emitter-appended) ---
"""Pipeline reference for scband-camera-lidar-temporal-optimizer-32693291057681 (READ-ONLY COPY).

The authoritative reference and input builder live on the scoring server;
editing this copy changes nothing except your own understanding.
"""

import jax, jax.numpy as jnp
import numpy as np

NUM_CAMERAS = 1000
BATCH = 16384


def exp_map_SO3xR3(tangent_vector):
    # tangent_vector: [N, 6]; [:, :3] translation, [:, 3:] rotation (axis-angle)
    lin = tangent_vector[:, :3]
    ang = tangent_vector[:, 3:]
    theta = jnp.linalg.norm(ang, axis=1, keepdims=True)  # [N, 1]
    theta2 = theta ** 2
    near_zero = theta < 1e-2
    theta_nz = jnp.where(near_zero, 1.0, theta)
    theta2_nz = jnp.where(near_zero, 1.0, theta2)
    sine = jnp.sin(theta)
    cosine = jnp.where(near_zero, 8.0 / (4.0 + theta2) - 1.0, jnp.cos(theta))
    sine_by_theta = jnp.where(near_zero, 0.5 * cosine + 0.5, sine / theta_nz)
    one_minus_cosine_by_theta2 = jnp.where(near_zero, 0.5 * sine_by_theta, (1.0 - cosine) / theta2_nz)
    outer = one_minus_cosine_by_theta2[:, :, None] * (ang[:, None, :] * ang[:, :, None])  # [N,3,3]
    temp = sine_by_theta * ang  # [N, 3]
    wx, wy, wz = temp[:, 0], temp[:, 1], temp[:, 2]
    zeros = jnp.zeros_like(wx)
    skew = jnp.stack([
        jnp.stack([zeros, -wz, wy], axis=-1),
        jnp.stack([wz, zeros, -wx], axis=-1),
        jnp.stack([-wy, wx, zeros], axis=-1),
    ], axis=-2)  # [N,3,3]
    rot = outer + cosine[:, :, None] * jnp.eye(3, dtype=tangent_vector.dtype) + skew
    return jnp.concatenate([rot, lin[:, :, None]], axis=-1)  # [N,3,4]


def setup_inputs(seed: int = 0) -> dict:
    key = jax.random.key(seed)
    k1, k2 = jax.random.split(key)
    indices = jax.random.randint(k1, (BATCH,), 0, NUM_CAMERAS, dtype=jnp.int64 if jax.config.jax_enable_x64 else jnp.int32)
    # learned pose adjustment parameter (initialized to zeros in the module;
    # use small random values so the exp-map exercises both branches)
    pose_adjustment = jax.random.normal(k2, (NUM_CAMERAS, 6), dtype=jnp.float32) * 0.02
    return {"indices": indices, "pose_adjustment": pose_adjustment}


def reference(indices, pose_adjustment):
    # CameraLidarTemporalOptimizer.forward with mode='SO3xR3':
    # gather pose adjustments for the given camera indices, then exp map.
    gathered = jnp.take(pose_adjustment, indices, axis=0)  # [B, 6]
    return exp_map_SO3xR3(gathered)  # [B, 3, 4]

if __name__ == "__main__":
    import jax
    _d = setup_inputs()
    print(jax.jit(kernel)(*tuple(_d.values())))

</pallas_src>

<mosaic_0001>
#map = affine_map<(d0, d1) -> (0)>
#map1 = affine_map<(d0, d1) -> (0, 0)>
module attributes {stable_mosaic.version = 14 : i64} {
  func.func @_fused_sc(%arg0: i32, %arg1: i32, %arg2: memref<6000xf32, #tpu.memory_space<hbm>>, %arg3: memref<16384xi32, #tpu.memory_space<hbm>>, %arg4: memref<16384x16xf32, #tpu.memory_space<hbm>>, %arg5: memref<1024x16xf32, #tpu.memory_space<hbm>>, %arg6: memref<384xf32, #tpu.memory_space<vmem>>, %arg7: memref<64x16xf32, #tpu.memory_space<vmem>>, %arg8: memref<512xi32, #tpu.memory_space<vmem>>, %arg9: memref<512x16xf32, #tpu.memory_space<vmem>>, %arg10: memref<!tpu.dma_semaphore, #tpu.memory_space<semaphore_mem>>, %arg11: memref<!tpu.dma_semaphore, #tpu.memory_space<semaphore_mem>>, %arg12: memref<!tpu.dma_semaphore, #tpu.memory_space<semaphore_mem>>) attributes {dimension_semantics = [#tpu.dimension_semantics<core_parallel>, #tpu.dimension_semantics<subcore_parallel>], iteration_bounds = array<i64: 2, 16>, scalar_prefetch = 0 : i64, scratch_operands = 7 : i64, tpu.core_type = #tpu.core_type<sc_vector_subcore>, window_params = [{transform_indices = #map}, {transform_indices = #map}, {transform_indices = #map1}, {transform_indices = #map1}]} {
    %mul3A = arith.constant 2 : i32
    %mul3A_0 = arith.muli %arg1, %mul3A : i32
    %add3A = arith.addi %mul3A_0, %arg0 : i32
    %mul3A_1 = arith.constant 512 : i32
    %mul3A_2 = arith.muli %add3A, %mul3A_1 : i32
    %dma_start3A = tpu.memref_slice %arg3[%mul3A_2] : memref<16384xi32, #tpu.memory_space<hbm>> -> memref<512xi32, #tpu.memory_space<hbm>>
    %dma_start3A_3 = tpu.memref_slice %arg3[%mul3A_2] : memref<16384xi32, #tpu.memory_space<hbm>> -> memref<512xi32, #tpu.memory_space<hbm>>
    tpu.enqueue_dma source(%dma_start3A_3 : memref<512xi32, #tpu.memory_space<hbm>>) target(%arg8 : memref<512xi32, #tpu.memory_space<vmem>>) target_semaphore(%arg12 : memref<!tpu.dma_semaphore, #tpu.memory_space<semaphore_mem>>)
    %lt3A = arith.constant 15 : i32
    %lt3A_4 = arith.cmpi slt, %arg1, %lt3A : i32
    %convert_element_type3A = arith.extui %lt3A_4 : i1 to i32
    %cond3A = arith.constant 0 : i32
    %cond3A_5 = arith.cmpi ne, %convert_element_type3A, %cond3A : i32
    scf.if %cond3A_5 {
      %mul3A_754 = arith.constant 384 : i32
      %mul3A_755 = arith.muli %arg1, %mul3A_754 : i32
      "tpu.region"() ({
        %run_scoped3A = tpu.sem_alloc : memref<!tpu.dma_semaphore, #tpu.memory_space<semaphore_mem>>
        %dma_start3A_756 = tpu.memref_slice %arg2[%mul3A_755] : memref<6000xf32, #tpu.memory_space<hbm>> -> memref<384xf32, #tpu.memory_space<hbm>>
        %dma_start3A_757 = tpu.memref_slice %arg2[%mul3A_755] : memref<6000xf32, #tpu.memory_space<hbm>> -> memref<384xf32, #tpu.memory_space<hbm>>
        tpu.enqueue_dma source(%dma_start3A_757 : memref<384xf32, #tpu.memory_space<hbm>>) target(%arg6 : memref<384xf32, #tpu.memory_space<vmem>>) target_semaphore(%run_scoped3A : memref<!tpu.dma_semaphore, #tpu.memory_space<semaphore_mem>>)
        %dma_wait3A_758 = tpu.memref_slice %arg2[%mul3A_755] : memref<6000xf32, #tpu.memory_space<hbm>> -> memref<384xf32, #tpu.memory_space<hbm>>
        %dma_wait3A_759 = tpu.memref_slice %arg2[%mul3A_755] : memref<6000xf32, #tpu.memory_space<hbm>> -> memref<384xf32, #tpu.memory_space<hbm>>
        tpu.wait_dma2 semaphore(%run_scoped3A : memref<!tpu.dma_semaphore, #tpu.memory_space<semaphore_mem>>) src(%dma_wait3A_759 : memref<384xf32, #tpu.memory_space<hbm>>) dst(%arg6 : memref<384xf32, #tpu.memory_space<vmem>>)
        tpu.yield
      }) : () -> ()
    } else {
    }
    %eq3A = arith.constant 15 : i32
    %eq3A_6 = arith.cmpi eq, %arg1, %eq3A : i32
    %convert_element_type3A_7 = arith.extui %eq3A_6 : i1 to i32
    %cond3A_8 = arith.constant 0 : i32
    %cond3A_9 = arith.cmpi ne, %convert_element_type3A_7, %cond3A_8 : i32
    scf.if %cond3A_9 {
      "tpu.region"() ({
        %run_scoped3A = tpu.sem_alloc : memref<!tpu.dma_semaphore, #tpu.memory_space<semaphore_mem>>
        %dma_start3A_754 = arith.constant 0 : i32
        %dma_start3A_755 = tpu.memref_slice %arg6[%dma_start3A_754] : memref<384xf32, #tpu.memory_space<vmem>> -> memref<240xf32, #tpu.memory_space<vmem>>
        %dma_start3A_756 = arith.constant 5760 : i32
        %dma_start3A_757 = tpu.memref_slice %arg2[%dma_start3A_756] : memref<6000xf32, #tpu.memory_space<hbm>> -> memref<240xf32, #tpu.memory_space<hbm>>
        %dma_start3A_758 = arith.constant 0 : i32
        %dma_start3A_759 = tpu.memref_slice %arg6[%dma_start3A_758] : memref<384xf32, #tpu.memory_space<vmem>> -> memref<240xf32, #tpu.memory_space<vmem>>
        %dma_start3A_760 = arith.constant 5760 : i32
        %dma_start3A_761 = tpu.memref_slice %arg2[%dma_start3A_760] : memref<6000xf32, #tpu.memory_space<hbm>> -> memref<240xf32, #tpu.memory_space<hbm>>
        tpu.enqueue_dma source(%dma_start3A_761 : memref<240xf32, #tpu.memory_space<hbm>>) target(%dma_start3A_759 : memref<240xf32, #tpu.memory_space<vmem>>) target_semaphore(%run_scoped3A : memref<!tpu.dma_semaphore, #tpu.memory_space<semaphore_mem>>)
        %dma_wait3A_762 = arith.constant 0 : i32
        %dma_wait3A_763 = tpu.memref_slice %arg6[%dma_wait3A_762] : memref<384xf32, #tpu.memory_space<vmem>> -> memref<240xf32, #tpu.memory_space<vmem>>
        %dma_wait3A_764 = arith.constant 5760 : i32
        %dma_wait3A_765 = tpu.memref_slice %arg2[%dma_wait3A_764] : memref<6000xf32, #tpu.memory_space<hbm>> -> memref<240xf32, #tpu.memory_space<hbm>>
        %dma_wait3A_766 = arith.constant 0 : i32
        %dma_wait3A_767 = tpu.memref_slice %arg6[%dma_wait3A_766] : memref<384xf32, #tpu.memory_space<vmem>> -> memref<240xf32, #tpu.memory_space<vmem>>
        %dma_wait3A_768 = arith.constant 5760 : i32
        %dma_wait3A_769 = tpu.memref_slice %arg2[%dma_wait3A_768] : memref<6000xf32, #tpu.memory_space<hbm>> -> memref<240xf32, #tpu.memory_space<hbm>>
        tpu.wait_dma2 semaphore(%run_scoped3A : memref<!tpu.dma_semaphore, #tpu.memory_space<semaphore_mem>>) src(%dma_wait3A_769 : memref<240xf32, #tpu.memory_space<hbm>>) dst(%dma_wait3A_767 : memref<240xf32, #tpu.memory_space<vmem>>)
        tpu.yield
      }) : () -> ()
    } else {
    }
    %iota3A = tpu.iota {dimensions = array<i32: 0>} : vector<16xi32>
    %mul3A_10 = arith.constant 6 : i32
    %mul3A_11 = vector.broadcast %mul3A_10 : i32 to vector<16xi32>
    %mul3A_12 = arith.muli %mul3A_11, %iota3A : vector<16xi32>
    %add3A_13 = arith.constant 0 : i32
    %add3A_14 = vector.broadcast %add3A_13 : i32 to vector<16xi32>
    %add3A_15 = arith.addi %add3A_14, %mul3A_12 : vector<16xi32>
    %gather3A = tpu.vector_load_idx %arg6[%add3A_15] : memref<384xf32, #tpu.memory_space<vmem>>[vector<16xi32>], vector<16xf32>,
    %add3A_16 = arith.constant 1 : i32
    %add3A_17 = vector.broadcast %add3A_16 : i32 to vector<16xi32>
    %add3A_18 = arith.addi %add3A_15, %add3A_17 : vector<16xi32>
    %gather3A_19 = tpu.vector_load_idx %arg6[%add3A_18] : memref<384xf32, #tpu.memory_space<vmem>>[vector<16xi32>], vector<16xf32>,
    %add3A_20 = arith.constant 2 : i32
    %add3A_21 = vector.broadcast %add3A_20 : i32 to vector<16xi32>
    %add3A_22 = arith.addi %add3A_15, %add3A_21 : vector<16xi32>
    %gather3A_23 = tpu.vector_load_idx %arg6[%add3A_22] : memref<384xf32, #tpu.memory_space<vmem>>[vector<16xi32>], vector<16xf32>,
    %add3A_24 = arith.constant 3 : i32
    %add3A_25 = vector.broadcast %add3A_24 : i32 to vector<16xi32>
    %add3A_26 = arith.addi %add3A_15, %add3A_25 : vector<16xi32>
    %gather3A_27 = tpu.vector_load_idx %arg6[%add3A_26] : memref<384xf32, #tpu.memory_space<vmem>>[vector<16xi32>], vector<16xf32>,
    %add3A_28 = arith.constant 4 : i32
    %add3A_29 = vector.broadcast %add3A_28 : i32 to vector<16xi32>
    %add3A_30 = arith.addi %add3A_15, %add3A_29 : vector<16xi32>
    %gather3A_31 = tpu.vector_load_idx %arg6[%add3A_30] : memref<384xf32, #tpu.memory_space<vmem>>[vector<16xi32>], vector<16xf32>,
    %add3A_32 = arith.constant 5 : i32
    %add3A_33 = vector.broadcast %add3A_32 : i32 to vector<16xi32>
    %add3A_34 = arith.addi %add3A_15, %add3A_33 : vector<16xi32>
    %gather3A_35 = tpu.vector_load_idx %arg6[%add3A_34] : memref<384xf32, #tpu.memory_space<vmem>>[vector<16xi32>], vector<16xf32>,
    %mul3A_36 = arith.mulf %gather3A_27, %gather3A_27 : vector<16xf32>
    %mul3A_37 = arith.mulf %gather3A_31, %gather3A_31 : vector<16xf32>
    %add3A_38 = arith.addf %mul3A_36, %mul3A_37 : vector<16xf32>
    %mul3A_39 = arith.mulf %gather3A_35, %gather3A_35 : vector<16xf32>
    %add3A_40 = arith.addf %add3A_38, %mul3A_39 : vector<16xf32>
    %mul3A_41 = arith.constant -2.755732E-7 : f32
    %mul3A_42 = vector.broadcast %mul3A_41 : f32 to vector<16xf32>
    %mul3A_43 = arith.mulf %add3A_40, %mul3A_42 : vector<16xf32>
    %add3A_44 = arith.constant 2.48015876E-5 : f32
    %add3A_45 = vector.broadcast %add3A_44 : f32 to vector<16xf32>
    %add3A_46 = arith.addf %add3A_45, %mul3A_43 : vector<16xf32>
    %mul3A_47 = arith.mulf %add3A_40, %add3A_46 : vector<16xf32>
    %add3A_48 = arith.constant -0.00138888892 : f32
    %add3A_49 = vector.broadcast %add3A_48 : f32 to vector<16xf32>
    %add3A_50 = arith.addf %add3A_49, %mul3A_47 : vector<16xf32>
    %mul3A_51 = arith.mulf %add3A_40, %add3A_50 : vector<16xf32>
    %add3A_52 = arith.constant 0.0416666679 : f32
    %add3A_53 = vector.broadcast %add3A_52 : f32 to vector<16xf32>
    %add3A_54 = arith.addf %add3A_53, %mul3A_51 : vector<16xf32>
    %mul3A_55 = arith.mulf %add3A_40, %add3A_54 : vector<16xf32>
    %add3A_56 = arith.constant -5.000000e-01 : f32
    %add3A_57 = vector.broadcast %add3A_56 : f32 to vector<16xf32>
    %add3A_58 = arith.addf %add3A_57, %mul3A_55 : vector<16xf32>
    %mul3A_59 = arith.mulf %add3A_40, %add3A_58 : vector<16xf32>
    %add3A_60 = arith.constant 1.000000e+00 : f32
    %add3A_61 = vector.broadcast %add3A_60 : f32 to vector<16xf32>
    %add3A_62 = arith.addf %add3A_61, %mul3A_59 : vector<16xf32>
    %mul3A_63 = arith.constant -2.50521079E-8 : f32
    %mul3A_64 = vector.broadcast %mul3A_63 : f32 to vector<16xf32>
    %mul3A_65 = arith.mulf %add3A_40, %mul3A_64 : vector<16xf32>
    %add3A_66 = arith.constant 2.75573188E-6 : f32
    %add3A_67 = vector.broadcast %add3A_66 : f32 to vector<16xf32>
    %add3A_68 = arith.addf %add3A_67, %mul3A_65 : vector<16xf32>
    %mul3A_69 = arith.mulf %add3A_40, %add3A_68 : vector<16xf32>
    %add3A_70 = arith.constant -1.98412701E-4 : f32
    %add3A_71 = vector.broadcast %add3A_70 : f32 to vector<16xf32>
    %add3A_72 = arith.addf %add3A_71, %mul3A_69 : vector<16xf32>
    %mul3A_73 = arith.mulf %add3A_40, %add3A_72 : vector<16xf32>
    %add3A_74 = arith.constant 0.00833333377 : f32
    %add3A_75 = vector.broadcast %add3A_74 : f32 to vector<16xf32>
    %add3A_76 = arith.addf %add3A_75, %mul3A_73 : vector<16xf32>
    %mul3A_77 = arith.mulf %add3A_40, %add3A_76 : vector<16xf32>
    %add3A_78 = arith.constant -0.166666672 : f32
    %add3A_79 = vector.broadcast %add3A_78 : f32 to vector<16xf32>
    %add3A_80 = arith.addf %add3A_79, %mul3A_77 : vector<16xf32>
    %mul3A_81 = arith.mulf %add3A_40, %add3A_80 : vector<16xf32>
    %add3A_82 = arith.constant 1.000000e+00 : f32
    %add3A_83 = vector.broadcast %add3A_82 : f32 to vector<16xf32>
    %add3A_84 = arith.addf %add3A_83, %mul3A_81 : vector<16xf32>
    %mul3A_85 = arith.constant -2.08767559E-9 : f32
    %mul3A_86 = vector.broadcast %mul3A_85 : f32 to vector<16xf32>
    %mul3A_87 = arith.mulf %add3A_40, %mul3A_86 : vector<16xf32>
    %add3A_88 = arith.constant 2.755732E-7 : f32
    %add3A_89 = vector.broadcast %add3A_88 : f32 to vector<16xf32>
    %add3A_90 = arith.addf %add3A_89, %mul3A_87 : vector<16xf32>
    %mul3A_91 = arith.mulf %add3A_40, %add3A_90 : vector<16xf32>
    %add3A_92 = arith.constant -2.48015876E-5 : f32
    %add3A_93 = vector.broadcast %add3A_92 : f32 to vector<16xf32>
    %add3A_94 = arith.addf %add3A_93, %mul3A_91 : vector<16xf32>
    %mul3A_95 = arith.mulf %add3A_40, %add3A_94 : vector<16xf32>
    %add3A_96 = arith.constant 0.00138888892 : f32
    %add3A_97 = vector.broadcast %add3A_96 : f32 to vector<16xf32>
    %add3A_98 = arith.addf %add3A_97, %mul3A_95 : vector<16xf32>
    %mul3A_99 = arith.mulf %add3A_40, %add3A_98 : vector<16xf32>
    %add3A_100 = arith.constant -0.0416666679 : f32
    %add3A_101 = vector.broadcast %add3A_100 : f32 to vector<16xf32>
    %add3A_102 = arith.addf %add3A_101, %mul3A_99 : vector<16xf32>
    %mul3A_103 = arith.mulf %add3A_40, %add3A_102 : vector<16xf32>
    %add3A_104 = arith.constant 5.000000e-01 : f32
    %add3A_105 = vector.broadcast %add3A_104 : f32 to vector<16xf32>
    %add3A_106 = arith.addf %add3A_105, %mul3A_103 : vector<16xf32>
    %mul3A_107 = arith.mulf %add3A_84, %gather3A_27 : vector<16xf32>
    %mul3A_108 = arith.mulf %add3A_84, %gather3A_31 : vector<16xf32>
    %mul3A_109 = arith.mulf %add3A_84, %gather3A_35 : vector<16xf32>
    %mul3A_110 = arith.mulf %add3A_106, %gather3A_27 : vector<16xf32>
    %mul3A_111 = arith.mulf %add3A_106, %gather3A_31 : vector<16xf32>
    %mul3A_112 = arith.mulf %mul3A_110, %gather3A_31 : vector<16xf32>
    %mul3A_113 = arith.mulf %mul3A_110, %gather3A_35 : vector<16xf32>
    %mul3A_114 = arith.mulf %mul3A_111, %gather3A_35 : vector<16xf32>
    %mul3A_115 = arith.mulf %mul3A_110, %gather3A_27 : vector<16xf32>
    %add3A_116 = arith.addf %mul3A_115, %add3A_62 : vector<16xf32>
    %sub3A = arith.subf %mul3A_112, %mul3A_109 : vector<16xf32>
    %add3A_117 = arith.addf %mul3A_113, %mul3A_108 : vector<16xf32>
    %add3A_118 = arith.addf %mul3A_112, %mul3A_109 : vector<16xf32>
    %mul3A_119 = arith.mulf %mul3A_111, %gather3A_31 : vector<16xf32>
    %add3A_120 = arith.addf %mul3A_119, %add3A_62 : vector<16xf32>
    %sub3A_121 = arith.subf %mul3A_114, %mul3A_107 : vector<16xf32>
    %sub3A_122 = arith.subf %mul3A_113, %mul3A_108 : vector<16xf32>
    %add3A_123 = arith.addf %mul3A_114, %mul3A_107 : vector<16xf32>
    %mul3A_124 = arith.mulf %add3A_106, %gather3A_35 : vector<16xf32>
    %mul3A_125 = arith.mulf %mul3A_124, %gather3A_35 : vector<16xf32>
    %add3A_126 = arith.addf %mul3A_125, %add3A_62 : vector<16xf32>
    %add3A_127 = arith.constant 0 : i32
    %add3A_128 = vector.broadcast %add3A_127 : i32 to vector<16xi32>
    %add3A_129 = arith.addi %add3A_128, %iota3A : vector<16xi32>
    %broadcast_in_dim3A = arith.constant 0 : i32
    %broadcast_in_dim3A_130 = vector.broadcast %broadcast_in_dim3A : i32 to vector<16xi32>
    tpu.vector_store_idx %arg7[%add3A_129, %broadcast_in_dim3A_130], %add3A_116 : memref<64x16xf32, #tpu.memory_space<vmem>>[vector<16xi32>, vector<16xi32>], vector<16xf32>,
    %broadcast_in_dim3A_131 = arith.constant 1 : i32
    %broadcast_in_dim3A_132 = vector.broadcast %broadcast_in_dim3A_131 : i32 to vector<16xi32>
    tpu.vector_store_idx %arg7[%add3A_129, %broadcast_in_dim3A_132], %sub3A : memref<64x16xf32, #tpu.memory_space<vmem>>[vector<16xi32>, vector<16xi32>], vector<16xf32>,
    %broadcast_in_dim3A_133 = arith.constant 2 : i32
    %broadcast_in_dim3A_134 = vector.broadcast %broadcast_in_dim3A_133 : i32 to vector<16xi32>
    tpu.vector_store_idx %arg7[%add3A_129, %broadcast_in_dim3A_134], %add3A_117 : memref<64x16xf32, #tpu.memory_space<vmem>>[vector<16xi32>, vector<16xi32>], vector<16xf32>,
    %broadcast_in_dim3A_135 = arith.constant 3 : i32
    %broadcast_in_dim3A_136 = vector.broadcast %broadcast_in_dim3A_135 : i32 to vector<16xi32>
    tpu.vector_store_idx %arg7[%add3A_129, %broadcast_in_dim3A_136], %gather3A : memref<64x16xf32, #tpu.memory_space<vmem>>[vector<16xi32>, vector<16xi32>], vector<16xf32>,
    %broadcast_in_dim3A_137 = arith.constant 4 : i32
    %broadcast_in_dim3A_138 = vector.broadcast %broadcast_in_dim3A_137 : i32 to vector<16xi32>
    tpu.vector_store_idx %arg7[%add3A_129, %broadcast_in_dim3A_138], %add3A_118 : memref<64x16xf32, #tpu.memory_space<vmem>>[vector<16xi32>, vector<16xi32>], vector<16xf32>,
    %broadcast_in_dim3A_139 = arith.constant 5 : i32
    %broadcast_in_dim3A_140 = vector.broadcast %broadcast_in_dim3A_139 : i32 to vector<16xi32>
    tpu.vector_store_idx %arg7[%add3A_129, %broadcast_in_dim3A_140], %add3A_120 : memref<64x16xf32, #tpu.memory_space<vmem>>[vector<16xi32>, vector<16xi32>], vector<16xf32>,
    %broadcast_in_dim3A_141 = arith.constant 6 : i32
    %broadcast_in_dim3A_142 = vector.broadcast %broadcast_in_dim3A_141 : i32 to vector<16xi32>
    tpu.vector_store_idx %arg7[%add3A_129, %broadcast_in_dim3A_142], %sub3A_121 : memref<64x16xf32, #tpu.memory_space<vmem>>[vector<16xi32>, vector<16xi32>], vector<16xf32>,
    %broadcast_in_dim3A_143 = arith.constant 7 : i32
    %broadcast_in_dim3A_144 = vector.broadcast %broadcast_in_dim3A_143 : i32 to vector<16xi32>
    tpu.vector_store_idx %arg7[%add3A_129, %broadcast_in_dim3A_144], %gather3A_19 : memref<64x16xf32, #tpu.memory_space<vmem>>[vector<16xi32>, vector<16xi32>], vector<16xf32>,
    %broadcast_in_dim3A_145 = arith.constant 8 : i32
    %broadcast_in_dim3A_146 = vector.broadcast %broadcast_in_dim3A_145 : i32 to vector<16xi32>
    tpu.vector_store_idx %arg7[%add3A_129, %broadcast_in_dim3A_146], %sub3A_122 : memref<64x16xf32, #tpu.memory_space<vmem>>[vector<16xi32>, vector<16xi32>], vector<16xf32>,
    %broadcast_in_dim3A_147 = arith.constant 9 : i32
    %broadcast_in_dim3A_148 = vector.broadcast %broadcast_in_dim3A_147 : i32 to vector<16xi32>
    tpu.vector_store_idx %arg7[%add3A_129, %broadcast_in_dim3A_148], %add3A_123 : memref<64x16xf32, #tpu.memory_space<vmem>>[vector<16xi32>, vector<16xi32>], vector<16xf32>,
    %broadcast_in_dim3A_149 = arith.constant 10 : i32
    %broadcast_in_dim3A_150 = vector.broadcast %broadcast_in_dim3A_149 : i32 to vector<16xi32>
    tpu.vector_store_idx %arg7[%add3A_129, %broadcast_in_dim3A_150], %add3A_126 : memref<64x16xf32, #tpu.memory_space<vmem>>[vector<16xi32>, vector<16xi32>], vector<16xf32>,
    %broadcast_in_dim3A_151 = arith.constant 11 : i32
    %broadcast_in_dim3A_152 = vector.broadcast %broadcast_in_dim3A_151 : i32 to vector<16xi32>
    tpu.vector_store_idx %arg7[%add3A_129, %broadcast_in_dim3A_152], %gather3A_23 : memref<64x16xf32, #tpu.memory_space<vmem>>[vector<16xi32>, vector<16xi32>], vector<16xf32>,
    %mul3A_153 = arith.constant 6 : i32
    %mul3A_154 = vector.broadcast %mul3A_153 : i32 to vector<16xi32>
    %mul3A_155 = arith.muli %mul3A_154, %iota3A : vector<16xi32>
    %add3A_156 = arith.constant 96 : i32
    %add3A_157 = vector.broadcast %add3A_156 : i32 to vector<16xi32>
    %add3A_158 = arith.addi %add3A_157, %mul3A_155 : vector<16xi32>
    %gather3A_159 = tpu.vector_load_idx %arg6[%add3A_158] : memref<384xf32, #tpu.memory_space<vmem>>[vector<16xi32>], vector<16xf32>,
    %add3A_160 = arith.constant 1 : i32
    %add3A_161 = vector.broadcast %add3A_160 : i32 to vector<16xi32>
    %add3A_162 = arith.addi %add3A_158, %add3A_161 : vector<16xi32>
    %gather3A_163 = tpu.vector_load_idx %arg6[%add3A_162] : memref<384xf32, #tpu.memory_space<vmem>>[vector<16xi32>], vector<16xf32>,
    %add3A_164 = arith.constant 2 : i32
    %add3A_165 = vector.broadcast %add3A_164 : i32 to vector<16xi32>
    %add3A_166 = arith.addi %add3A_158, %add3A_165 : vector<16xi32>
    %gather3A_167 = tpu.vector_load_idx %arg6[%add3A_166] : memref<384xf32, #tpu.memory_space<vmem>>[vector<16xi32>], vector<16xf32>,
    %add3A_168 = arith.constant 3 : i32
    %add3A_169 = vector.broadcast %add3A_168 : i32 to vector<16xi32>
    %add3A_170 = arith.addi %add3A_158, %add3A_169 : vector<16xi32>
    %gather3A_171 = tpu.vector_load_idx %arg6[%add3A_170] : memref<384xf32, #tpu.memory_space<vmem>>[vector<16xi32>], vector<16xf32>,
    %add3A_172 = arith.constant 4 : i32
    %add3A_173 = vector.broadcast %add3A_172 : i32 to vector<16xi32>
    %add3A_174 = arith.addi %add3A_158, %add3A_173 : vector<16xi32>
    %gather3A_175 = tpu.vector_load_idx %arg6[%add3A_174] : memref<384xf32, #tpu.memory_space<vmem>>[vector<16xi32>], vector<16xf32>,
    %add3A_176 = arith.constant 5 : i32
    %add3A_177 = vector.broadcast %add3A_176 : i32 to vector<16xi32>
    %add3A_178 = arith.addi %add3A_158, %add3A_177 : vector<16xi32>
    %gather3A_179 = tpu.vector_load_idx %arg6[%add3A_178] : memref<384xf32, #tpu.memory_space<vmem>>[vector<16xi32>], vector<16xf32>,
    %mul3A_180 = arith.mulf %gather3A_171, %gather3A_171 : vector<16xf32>
    %mul3A_181 = arith.mulf %gather3A_175, %gather3A_175 : vector<16xf32>
    %add3A_182 = arith.addf %mul3A_180, %mul3A_181 : vector<16xf32>
    %mul3A_183 = arith.mulf %gather3A_179, %gather3A_179 : vector<16xf32>
    %add3A_184 = arith.addf %add3A_182, %mul3A_183 : vector<16xf32>
    %mul3A_185 = arith.constant -2.755732E-7 : f32
    %mul3A_186 = vector.broadcast %mul3A_185 : f32 to vector<16xf32>
    %mul3A_187 = arith.mulf %add3A_184, %mul3A_186 : vector<16xf32>
    %add3A_188 = arith.constant 2.48015876E-5 : f32
    %add3A_189 = vector.broadcast %add3A_188 : f32 to vector<16xf32>
    %add3A_190 = arith.addf %add3A_189, %mul3A_187 : vector<16xf32>
    %mul3A_191 = arith.mulf %add3A_184, %add3A_190 : vector<16xf32>
    %add3A_192 = arith.constant -0.00138888892 : f32
    %add3A_193 = vector.broadcast %add3A_192 : f32 to vector<16xf32>
    %add3A_194 = arith.addf %add3A_193, %mul3A_191 : vector<16xf32>
    %mul3A_195 = arith.mulf %add3A_184, %add3A_194 : vector<16xf32>
    %add3A_196 = arith.constant 0.0416666679 : f32
    %add3A_197 = vector.broadcast %add3A_196 : f32 to vector<16xf32>
    %add3A_198 = arith.addf %add3A_197, %mul3A_195 : vector<16xf32>
    %mul3A_199 = arith.mulf %add3A_184, %add3A_198 : vector<16xf32>
    %add3A_200 = arith.constant -5.000000e-01 : f32
    %add3A_201 = vector.broadcast %add3A_200 : f32 to vector<16xf32>
    %add3A_202 = arith.addf %add3A_201, %mul3A_199 : vector<16xf32>
    %mul3A_203 = arith.mulf %add3A_184, %add3A_202 : vector<16xf32>
    %add3A_204 = arith.constant 1.000000e+00 : f32
    %add3A_205 = vector.broadcast %add3A_204 : f32 to vector<16xf32>
    %add3A_206 = arith.addf %add3A_205, %mul3A_203 : vector<16xf32>
    %mul3A_207 = arith.constant -2.50521079E-8 : f32
    %mul3A_208 = vector.broadcast %mul3A_207 : f32 to vector<16xf32>
    %mul3A_209 = arith.mulf %add3A_184, %mul3A_208 : vector<16xf32>
    %add3A_210 = arith.constant 2.75573188E-6 : f32
    %add3A_211 = vector.broadcast %add3A_210 : f32 to vector<16xf32>
    %add3A_212 = arith.addf %add3A_211, %mul3A_209 : vector<16xf32>
    %mul3A_213 = arith.mulf %add3A_184, %add3A_212 : vector<16xf32>
    %add3A_214 = arith.constant -1.98412701E-4 : f32
    %add3A_215 = vector.broadcast %add3A_214 : f32 to vector<16xf32>
    %add3A_216 = arith.addf %add3A_215, %mul3A_213 : vector<16xf32>
    %mul3A_217 = arith.mulf %add3A_184, %add3A_216 : vector<16xf32>
    %add3A_218 = arith.constant 0.00833333377 : f32
    %add3A_219 = vector.broadcast %add3A_218 : f32 to vector<16xf32>
    %add3A_220 = arith.addf %add3A_219, %mul3A_217 : vector<16xf32>
    %mul3A_221 = arith.mulf %add3A_184, %add3A_220 : vector<16xf32>
    %add3A_222 = arith.constant -0.166666672 : f32
    %add3A_223 = vector.broadcast %add3A_222 : f32 to vector<16xf32>
    %add3A_224 = arith.addf %add3A_223, %mul3A_221 : vector<16xf32>
    %mul3A_225 = arith.mulf %add3A_184, %add3A_224 : vector<16xf32>
    %add3A_226 = arith.constant 1.000000e+00 : f32
    %add3A_227 = vector.broadcast %add3A_226 : f32 to vector<16xf32>
    %add3A_228 = arith.addf %add3A_227, %mul3A_225 : vector<16xf32>
    %mul3A_229 = arith.constant -2.08767559E-9 : f32
    %mul3A_230 = vector.broadcast %mul3A_229 : f32 to vector<16xf32>
    %mul3A_231 = arith.mulf %add3A_184, %mul3A_230 : vector<16xf32>
    %add3A_232 = arith.constant 2.755732E-7 : f32
    %add3A_233 = vector.broadcast %add3A_232 : f32 to vector<16xf32>
    %add3A_234 = arith.addf %add3A_233, %mul3A_231 : vector<16xf32>
    %mul3A_235 = arith.mulf %add3A_184, %add3A_234 : vector<16xf32>
    %add3A_236 = arith.constant -2.48015876E-5 : f32
    %add3A_237 = vector.broadcast %add3A_236 : f32 to vector<16xf32>
    %add3A_238 = arith.addf %add3A_237, %mul3A_235 : vector<16xf32>
    %mul3A_239 = arith.mulf %add3A_184, %add3A_238 : vector<16xf32>
    %add3A_240 = arith.constant 0.00138888892 : f32
    %add3A_241 = vector.broadcast %add3A_240 : f32 to vector<16xf32>
    %add3A_242 = arith.addf %add3A_241, %mul3A_239 : vector<16xf32>
    %mul3A_243 = arith.mulf %add3A_184, %add3A_242 : vector<16xf32>
    %add3A_244 = arith.constant -0.0416666679 : f32
    %add3A_245 = vector.broadcast %add3A_244 : f32 to vector<16xf32>
    %add3A_246 = arith.addf %add3A_245, %mul3A_243 : vector<16xf32>
    %mul3A_247 = arith.mulf %add3A_184, %add3A_246 : vector<16xf32>
    %add3A_248 = arith.constant 5.000000e-01 : f32
    %add3A_249 = vector.broadcast %add3A_248 : f32 to vector<16xf32>
    %add3A_250 = arith.addf %add3A_249, %mul3A_247 : vector<16xf32>
    %mul3A_251 = arith.mulf %add3A_228, %gather3A_171 : vector<16xf32>
    %mul3A_252 = arith.mulf %add3A_228, %gather3A_175 : vector<16xf32>
    %mul3A_253 = arith.mulf %add3A_228, %gather3A_179 : vector<16xf32>
    %mul3A_254 = arith.mulf %add3A_250, %gather3A_171 : vector<16xf32>
    %mul3A_255 = arith.mulf %add3A_250, %gather3A_175 : vector<16xf32>
    %mul3A_256 = arith.mulf %mul3A_254, %gather3A_175 : vector<16xf32>
    %mul3A_257 = arith.mulf %mul3A_254, %gather3A_179 : vector<16xf32>
    %mul3A_258 = arith.mulf %mul3A_255, %gather3A_179 : vector<16xf32>
    %mul3A_259 = arith.mulf %mul3A_254, %gather3A_171 : vector<16xf32>
    %add3A_260 = arith.addf %mul3A_259, %add3A_206 : vector<16xf32>
    %sub3A_261 = arith.subf %mul3A_256, %mul3A_253 : vector<16xf32>
    %add3A_262 = arith.addf %mul3A_257, %mul3A_252 : vector<16xf32>
    %add3A_263 = arith.addf %mul3A_256, %mul3A_253 : vector<16xf32>
    %mul3A_264 = arith.mulf %mul3A_255, %gather3A_175 : vector<16xf32>
    %add3A_265 = arith.addf %mul3A_264, %add3A_206 : vector<16xf32>
    %sub3A_266 = arith.subf %mul3A_258, %mul3A_251 : vector<16xf32>
    %sub3A_267 = arith.subf %mul3A_257, %mul3A_252 : vector<16xf32>
    %add3A_268 = arith.addf %mul3A_258, %mul3A_251 : vector<16xf32>
    %mul3A_269 = arith.mulf %add3A_250, %gather3A_179 : vector<16xf32>
    %mul3A_270 = arith.mulf %mul3A_269, %gather3A_179 : vector<16xf32>
    %add3A_271 = arith.addf %mul3A_270, %add3A_206 : vector<16xf32>
    %add3A_272 = arith.constant 16 : i32
    %add3A_273 = vector.broadcast %add3A_272 : i32 to vector<16xi32>
    %add3A_274 = arith.addi %add3A_273, %iota3A : vector<16xi32>
    %broadcast_in_dim3A_275 = arith.constant 0 : i32
    %broadcast_in_dim3A_276 = vector.broadcast %broadcast_in_dim3A_275 : i32 to vector<16xi32>
    tpu.vector_store_idx %arg7[%add3A_274, %broadcast_in_dim3A_276], %add3A_260 : memref<64x16xf32, #tpu.memory_space<vmem>>[vector<16xi32>, vector<16xi32>], vector<16xf32>,
    %broadcast_in_dim3A_277 = arith.constant 1 : i32
    %broadcast_in_dim3A_278 = vector.broadcast %broadcast_in_dim3A_277 : i32 to vector<16xi32>
    tpu.vector_store_idx %arg7[%add3A_274, %broadcast_in_dim3A_278], %sub3A_261 : memref<64x16xf32, #tpu.memory_space<vmem>>[vector<16xi32>, vector<16xi32>], vector<16xf32>,
    %broadcast_in_dim3A_279 = arith.constant 2 : i32
    %broadcast_in_dim3A_280 = vector.broadcast %broadcast_in_dim3A_279 : i32 to vector<16xi32>
    tpu.vector_store_idx %arg7[%add3A_274, %broadcast_in_dim3A_280], %add3A_262 : memref<64x16xf32, #tpu.memory_space<vmem>>[vector<16xi32>, vector<16xi32>], vector<16xf32>,
    %broadcast_in_dim3A_281 = arith.constant 3 : i32
    %broadcast_in_dim3A_282 = vector.broadcast %broadcast_in_dim3A_281 : i32 to vector<16xi32>
    tpu.vector_store_idx %arg7[%add3A_274, %broadcast_in_dim3A_282], %gather3A_159 : memref<64x16xf32, #tpu.memory_space<vmem>>[vector<16xi32>, vector<16xi32>], vector<16xf32>,
    %broadcast_in_dim3A_283 = arith.constant 4 : i32
    %broadcast_in_dim3A_284 = vector.broadcast %broadcast_in_dim3A_283 : i32 to vector<16xi32>
    tpu.vector_store_idx %arg7[%add3A_274, %broadcast_in_dim3A_284], %add3A_263 : memref<64x16xf32, #tpu.memory_space<vmem>>[vector<16xi32>, vector<16xi32>], vector<16xf32>,
    %broadcast_in_dim3A_285 = arith.constant 5 : i32
    %broadcast_in_dim3A_286 = vector.broadcast %broadcast_in_dim3A_285 : i32 to vector<16xi32>
    tpu.vector_store_idx %arg7[%add3A_274, %broadcast_in_dim3A_286], %add3A_265 : memref<64x16xf32, #tpu.memory_space<vmem>>[vector<16xi32>, vector<16xi32>], vector<16xf32>,
    %broadcast_in_dim3A_287 = arith.constant 6 : i32
    %broadcast_in_dim3A_288 = vector.broadcast %broadcast_in_dim3A_287 : i32 to vector<16xi32>
    tpu.vector_store_idx %arg7[%add3A_274, %broadcast_in_dim3A_288], %sub3A_266 : memref<64x16xf32, #tpu.memory_space<vmem>>[vector<16xi32>, vector<16xi32>], vector<16xf32>,
    %broadcast_in_dim3A_289 = arith.constant 7 : i32
    %broadcast_in_dim3A_290 = vector.broadcast %broadcast_in_dim3A_289 : i32 to vector<16xi32>
    tpu.vector_store_idx %arg7[%add3A_274, %broadcast_in_dim3A_290], %gather3A_163 : memref<64x16xf32, #tpu.memory_space<vmem>>[vector<16xi32>, vector<16xi32>], vector<16xf32>,
    %broadcast_in_dim3A_291 = arith.constant 8 : i32
    %broadcast_in_dim3A_292 = vector.broadcast %broadcast_in_dim3A_291 : i32 to vector<16xi32>
    tpu.vector_store_idx %arg7[%add3A_274, %broadcast_in_dim3A_292], %sub3A_267 : memref<64x16xf32, #tpu.memory_space<vmem>>[vector<16xi32>, vector<16xi32>], vector<16xf32>,
    %broadcast_in_dim3A_293 = arith.constant 9 : i32
    %broadcast_in_dim3A_294 = vector.broadcast %broadcast_in_dim3A_293 : i32 to vector<16xi32>
    tpu.vector_store_idx %arg7[%add3A_274, %broadcast_in_dim3A_294], %add3A_268 : memref<64x16xf32, #tpu.memory_space<vmem>>[vector<16xi32>, vector<16xi32>], vector<16xf32>,
    %broadcast_in_dim3A_295 = arith.constant 10 : i32
    %broadcast_in_dim3A_296 = vector.broadcast %broadcast_in_dim3A_295 : i32 to vector<16xi32>
    tpu.vector_store_idx %arg7[%add3A_274, %broadcast_in_dim3A_296], %add3A_271 : memref<64x16xf32, #tpu.memory_space<vmem>>[vector<16xi32>, vector<16xi32>], vector<16xf32>,
    %broadcast_in_dim3A_297 = arith.constant 11 : i32
    %broadcast_in_dim3A_298 = vector.broadcast %broadcast_in_dim3A_297 : i32 to vector<16xi32>
    tpu.vector_store_idx %arg7[%add3A_274, %broadcast_in_dim3A_298], %gather3A_167 : memref<64x16xf32, #tpu.memory_space<vmem>>[vector<16xi32>, vector<16xi32>], vector<16xf32>,
    %mul3A_299 = arith.constant 6 : i32
    %mul3A_300 = vector.broadcast %mul3A_299 : i32 to vector<16xi32>
    %mul3A_301 = arith.muli %mul3A_300, %iota3A : vector<16xi32>
    %add3A_302 = arith.constant 192 : i32
    %add3A_303 = vector.broadcast %add3A_302 : i32 to vector<16xi32>
    %add3A_304 = arith.addi %add3A_303, %mul3A_301 : vector<16xi32>
    %gather3A_305 = tpu.vector_load_idx %arg6[%add3A_304] : memref<384xf32, #tpu.memory_space<vmem>>[vector<16xi32>], vector<16xf32>,
    %add3A_306 = arith.constant 1 : i32
    %add3A_307 = vector.broadcast %add3A_306 : i32 to vector<16xi32>
    %add3A_308 = arith.addi %add3A_304, %add3A_307 : vector<16xi32>
    %gather3A_309 = tpu.vector_load_idx %arg6[%add3A_308] : memref<384xf32, #tpu.memory_space<vmem>>[vector<16xi32>], vector<16xf32>,
    %add3A_310 = arith.constant 2 : i32
    %add3A_311 = vector.broadcast %add3A_310 : i32 to vector<16xi32>
    %add3A_312 = arith.addi %add3A_304, %add3A_311 : vector<16xi32>
    %gather3A_313 = tpu.vector_load_idx %arg6[%add3A_312] : memref<384xf32, #tpu.memory_space<vmem>>[vector<16xi32>], vector<16xf32>,
    %add3A_314 = arith.constant 3 : i32
    %add3A_315 = vector.broadcast %add3A_314 : i32 to vector<16xi32>
    %add3A_316 = arith.addi %add3A_304, %add3A_315 : vector<16xi32>
    %gather3A_317 = tpu.vector_load_idx %arg6[%add3A_316] : memref<384xf32, #tpu.memory_space<vmem>>[vector<16xi32>], vector<16xf32>,
    %add3A_318 = arith.constant 4 : i32
    %add3A_319 = vector.broadcast %add3A_318 : i32 to vector<16xi32>
    %add3A_320 = arith.addi %add3A_304, %add3A_319 : vector<16xi32>
    %gather3A_321 = tpu.vector_load_idx %arg6[%add3A_320] : memref<384xf32, #tpu.memory_space<vmem>>[vector<16xi32>], vector<16xf32>,
    %add3A_322 = arith.constant 5 : i32
    %add3A_323 = vector.broadcast %add3A_322 : i32 to vector<16xi32>
    %add3A_324 = arith.addi %add3A_304, %add3A_323 : vector<16xi32>
    %gather3A_325 = tpu.vector_load_idx %arg6[%add3A_324] : memref<384xf32, #tpu.memory_space<vmem>>[vector<16xi32>], vector<16xf32>,
    %mul3A_326 = arith.mulf %gather3A_317, %gather3A_317 : vector<16xf32>
    %mul3A_327 = arith.mulf %gather3A_321, %gather3A_321 : vector<16xf32>
    %add3A_328 = arith.addf %mul3A_326, %mul3A_327 : vector<16xf32>
    %mul3A_329 = arith.mulf %gather3A_325, %gather3A_325 : vector<16xf32>
    %add3A_330 = arith.addf %add3A_328, %mul3A_329 : vector<16xf32>
    %mul3A_331 = arith.constant -2.755732E-7 : f32
    %mul3A_332 = vector.broadcast %mul3A_331 : f32 to vector<16xf32>
    %mul3A_333 = arith.mulf %add3A_330, %mul3A_332 : vector<16xf32>
    %add3A_334 = arith.constant 2.48015876E-5 : f32
    %add3A_335 = vector.broadcast %add3A_334 : f32 to vector<16xf32>
    %add3A_336 = arith.addf %add3A_335, %mul3A_333 : vector<16xf32>
    %mul3A_337 = arith.mulf %add3A_330, %add3A_336 : vector<16xf32>
    %add3A_338 = arith.constant -0.00138888892 : f32
    %add3A_339 = vector.broadcast %add3A_338 : f32 to vector<16xf32>
    %add3A_340 = arith.addf %add3A_339, %mul3A_337 : vector<16xf32>
    %mul3A_341 = arith.mulf %add3A_330, %add3A_340 : vector<16xf32>
    %add3A_342 = arith.constant 0.0416666679 : f32
    %add3A_343 = vector.broadcast %add3A_342 : f32 to vector<16xf32>
    %add3A_344 = arith.addf %add3A_343, %mul3A_341 : vector<16xf32>
    %mul3A_345 = arith.mulf %add3A_330, %add3A_344 : vector<16xf32>
    %add3A_346 = arith.constant -5.000000e-01 : f32
    %add3A_347 = vector.broadcast %add3A_346 : f32 to vector<16xf32>
    %add3A_348 = arith.addf %add3A_347, %mul3A_345 : vector<16xf32>
    %mul3A_349 = arith.mulf %add3A_330, %add3A_348 : vector<16xf32>
    %add3A_350 = arith.constant 1.000000e+00 : f32
    %add3A_351 = vector.broadcast %add3A_350 : f32 to vector<16xf32>
    %add3A_352 = arith.addf %add3A_351, %mul3A_349 : vector<16xf32>
    %mul3A_353 = arith.constant -2.50521079E-8 : f32
    %mul3A_354 = vector.broadcast %mul3A_353 : f32 to vector<16xf32>
    %mul3A_355 = arith.mulf %add3A_330, %mul3A_354 : vector<16xf32>
    %add3A_356 = arith.constant 2.75573188E-6 : f32
    %add3A_357 = vector.broadcast %add3A_356 : f32 to vector<16xf32>
    %add3A_358 = arith.addf %add3A_357, %mul3A_355 : vector<16xf32>
    %mul3A_359 = arith.mulf %add3A_330, %add3A_358 : vector<16xf32>
    %add3A_360 = arith.constant -1.98412701E-4 : f32
    %add3A_361 = vector.broadcast %add3A_360 : f32 to vector<16xf32>
    %add3A_362 = arith.addf %add3A_361, %mul3A_359 : vector<16xf32>
    %mul3A_363 = arith.mulf %add3A_330, %add3A_362 : vector<16xf32>
    %add3A_364 = arith.constant 0.00833333377 : f32
    %add3A_365 = vector.broadcast %add3A_364 : f32 to vector<16xf32>
    %add3A_366 = arith.addf %add3A_365, %mul3A_363 : vector<16xf32>
    %mul3A_367 = arith.mulf %add3A_330, %add3A_366 : vector<16xf32>
    %add3A_368 = arith.constant -0.166666672 : f32
    %add3A_369 = vector.broadcast %add3A_368 : f32 to vector<16xf32>
    %add3A_370 = arith.addf %add3A_369, %mul3A_367 : vector<16xf32>
    %mul3A_371 = arith.mulf %add3A_330, %add3A_370 : vector<16xf32>
    %add3A_372 = arith.constant 1.000000e+00 : f32
    %add3A_373 = vector.broadcast %add3A_372 : f32 to vector<16xf32>
    %add3A_374 = arith.addf %add3A_373, %mul3A_371 : vector<16xf32>
    %mul3A_375 = arith.constant -2.08767559E-9 : f32
    %mul3A_376 = vector.broadcast %mul3A_375 : f32 to vector<16xf32>
    %mul3A_377 = arith.mulf %add3A_330, %mul3A_376 : vector<16xf32>
    %add3A_378 = arith.constant 2.755732E-7 : f32
    %add3A_379 = vector.broadcast %add3A_378 : f32 to vector<16xf32>
    %add3A_380 = arith.addf %add3A_379, %mul3A_377 : vector<16xf32>
    %mul3A_381 = arith.mulf %add3A_330, %add3A_380 : vector<16xf32>
    %add3A_382 = arith.constant -2.48015876E-5 : f32
    %add3A_383 = vector.broadcast %add3A_382 : f32 to vector<16xf32>
    %add3A_384 = arith.addf %add3A_383, %mul3A_381 : vector<16xf32>
    %mul3A_385 = arith.mulf %add3A_330, %add3A_384 : vector<16xf32>
    %add3A_386 = arith.constant 0.00138888892 : f32
    %add3A_387 = vector.broadcast %add3A_386 : f32 to vector<16xf32>
    %add3A_388 = arith.addf %add3A_387, %mul3A_385 : vector<16xf32>
    %mul3A_389 = arith.mulf %add3A_330, %add3A_388 : vector<16xf32>
    %add3A_390 = arith.constant -0.0416666679 : f32
    %add3A_391 = vector.broadcast %add3A_390 : f32 to vector<16xf32>
    %add3A_392 = arith.addf %add3A_391, %mul3A_389 : vector<16xf32>
    %mul3A_393 = arith.mulf %add3A_330, %add3A_392 : vector<16xf32>
    %add3A_394 = arith.constant 5.000000e-01 : f32
    %add3A_395 = vector.broadcast %add3A_394 : f32 to vector<16xf32>
    %add3A_396 = arith.addf %add3A_395, %mul3A_393 : vector<16xf32>
    %mul3A_397 = arith.mulf %add3A_374, %gather3A_317 : vector<16xf32>
    %mul3A_398 = arith.mulf %add3A_374, %gather3A_321 : vector<16xf32>
    %mul3A_399 = arith.mulf %add3A_374, %gather3A_325 : vector<16xf32>
    %mul3A_400 = arith.mulf %add3A_396, %gather3A_317 : vector<16xf32>
    %mul3A_401 = arith.mulf %add3A_396, %gather3A_321 : vector<16xf32>
    %mul3A_402 = arith.mulf %mul3A_400, %gather3A_321 : vector<16xf32>
    %mul3A_403 = arith.mulf %mul3A_400, %gather3A_325 : vector<16xf32>
    %mul3A_404 = arith.mulf %mul3A_401, %gather3A_325 : vector<16xf32>
    %mul3A_405 = arith.mulf %mul3A_400, %gather3A_317 : vector<16xf32>
    %add3A_406 = arith.addf %mul3A_405, %add3A_352 : vector<16xf32>
    %sub3A_407 = arith.subf %mul3A_402, %mul3A_399 : vector<16xf32>
    %add3A_408 = arith.addf %mul3A_403, %mul3A_398 : vector<16xf32>
    %add3A_409 = arith.addf %mul3A_402, %mul3A_399 : vector<16xf32>
    %mul3A_410 = arith.mulf %mul3A_401, %gather3A_321 : vector<16xf32>
    %add3A_411 = arith.addf %mul3A_410, %add3A_352 : vector<16xf32>
    %sub3A_412 = arith.subf %mul3A_404, %mul3A_397 : vector<16xf32>
    %sub3A_413 = arith.subf %mul3A_403, %mul3A_398 : vector<16xf32>
    %add3A_414 = arith.addf %mul3A_404, %mul3A_397 : vector<16xf32>
    %mul3A_415 = arith.mulf %add3A_396, %gather3A_325 : vector<16xf32>
    %mul3A_416 = arith.mulf %mul3A_415, %gather3A_325 : vector<16xf32>
    %add3A_417 = arith.addf %mul3A_416, %add3A_352 : vector<16xf32>
    %add3A_418 = arith.constant 32 : i32
    %add3A_419 = vector.broadcast %add3A_418 : i32 to vector<16xi32>
    %add3A_420 = arith.addi %add3A_419, %iota3A : vector<16xi32>
    %broadcast_in_dim3A_421 = arith.constant 0 : i32
    %broadcast_in_dim3A_422 = vector.broadcast %broadcast_in_dim3A_421 : i32 to vector<16xi32>
    tpu.vector_store_idx %arg7[%add3A_420, %broadcast_in_dim3A_422], %add3A_406 : memref<64x16xf32, #tpu.memory_space<vmem>>[vector<16xi32>, vector<16xi32>], vector<16xf32>,
    %broadcast_in_dim3A_423 = arith.constant 1 : i32
    %broadcast_in_dim3A_424 = vector.broadcast %broadcast_in_dim3A_423 : i32 to vector<16xi32>
    tpu.vector_store_idx %arg7[%add3A_420, %broadcast_in_dim3A_424], %sub3A_407 : memref<64x16xf32, #tpu.memory_space<vmem>>[vector<16xi32>, vector<16xi32>], vector<16xf32>,
    %broadcast_in_dim3A_425 = arith.constant 2 : i32
    %broadcast_in_dim3A_426 = vector.broadcast %broadcast_in_dim3A_425 : i32 to vector<16xi32>
    tpu.vector_store_idx %arg7[%add3A_420, %broadcast_in_dim3A_426], %add3A_408 : memref<64x16xf32, #tpu.memory_space<vmem>>[vector<16xi32>, vector<16xi32>], vector<16xf32>,
    %broadcast_in_dim3A_427 = arith.constant 3 : i32
    %broadcast_in_dim3A_428 = vector.broadcast %broadcast_in_dim3A_427 : i32 to vector<16xi32>
    tpu.vector_store_idx %arg7[%add3A_420, %broadcast_in_dim3A_428], %gather3A_305 : memref<64x16xf32, #tpu.memory_space<vmem>>[vector<16xi32>, vector<16xi32>], vector<16xf32>,
    %broadcast_in_dim3A_429 = arith.constant 4 : i32
    %broadcast_in_dim3A_430 = vector.broadcast %broadcast_in_dim3A_429 : i32 to vector<16xi32>
    tpu.vector_store_idx %arg7[%add3A_420, %broadcast_in_dim3A_430], %add3A_409 : memref<64x16xf32, #tpu.memory_space<vmem>>[vector<16xi32>, vector<16xi32>], vector<16xf32>,
    %broadcast_in_dim3A_431 = arith.constant 5 : i32
    %broadcast_in_dim3A_432 = vector.broadcast %broadcast_in_dim3A_431 : i32 to vector<16xi32>
    tpu.vector_store_idx %arg7[%add3A_420, %broadcast_in_dim3A_432], %add3A_411 : memref<64x16xf32, #tpu.memory_space<vmem>>[vector<16xi32>, vector<16xi32>], vector<16xf32>,
    %broadcast_in_dim3A_433 = arith.constant 6 : i32
    %broadcast_in_dim3A_434 = vector.broadcast %broadcast_in_dim3A_433 : i32 to vector<16xi32>
    tpu.vector_store_idx %arg7[%add3A_420, %broadcast_in_dim3A_434], %sub3A_412 : memref<64x16xf32, #tpu.memory_space<vmem>>[vector<16xi32>, vector<16xi32>], vector<16xf32>,
    %broadcast_in_dim3A_435 = arith.constant 7 : i32
    %broadcast_in_dim3A_436 = vector.broadcast %broadcast_in_dim3A_435 : i32 to vector<16xi32>
    tpu.vector_store_idx %arg7[%add3A_420, %broadcast_in_dim3A_436], %gather3A_309 : memref<64x16xf32, #tpu.memory_space<vmem>>[vector<16xi32>, vector<16xi32>], vector<16xf32>,
    %broadcast_in_dim3A_437 = arith.constant 8 : i32
    %broadcast_in_dim3A_438 = vector.broadcast %broadcast_in_dim3A_437 : i32 to vector<16xi32>
    tpu.vector_store_idx %arg7[%add3A_420, %broadcast_in_dim3A_438], %sub3A_413 : memref<64x16xf32, #tpu.memory_space<vmem>>[vector<16xi32>, vector<16xi32>], vector<16xf32>,
    %broadcast_in_dim3A_439 = arith.constant 9 : i32
    %broadcast_in_dim3A_440 = vector.broadcast %broadcast_in_dim3A_439 : i32 to vector<16xi32>
    tpu.vector_store_idx %arg7[%add3A_420, %broadcast_in_dim3A_440], %add3A_414 : memref<64x16xf32, #tpu.memory_space<vmem>>[vector<16xi32>, vector<16xi32>], vector<16xf32>,
    %broadcast_in_dim3A_441 = arith.constant 10 : i32
    %broadcast_in_dim3A_442 = vector.broadcast %broadcast_in_dim3A_441 : i32 to vector<16xi32>
    tpu.vector_store_idx %arg7[%add3A_420, %broadcast_in_dim3A_442], %add3A_417 : memref<64x16xf32, #tpu.memory_space<vmem>>[vector<16xi32>, vector<16xi32>], vector<16xf32>,
    %broadcast_in_dim3A_443 = arith.constant 11 : i32
    %broadcast_in_dim3A_444 = vector.broadcast %broadcast_in_dim3A_443 : i32 to vector<16xi32>
    tpu.vector_store_idx %arg7[%add3A_420, %broadcast_in_dim3A_444], %gather3A_313 : memref<64x16xf32, #tpu.memory_space<vmem>>[vector<16xi32>, vector<16xi32>], vector<16xf32>,
    %mul3A_445 = arith.constant 6 : i32
    %mul3A_446 = vector.broadcast %mul3A_445 : i32 to vector<16xi32>
    %mul3A_447 = arith.muli %mul3A_446, %iota3A : vector<16xi32>
    %add3A_448 = arith.constant 288 : i32
    %add3A_449 = vector.broadcast %add3A_448 : i32 to vector<16xi32>
    %add3A_450 = arith.addi %add3A_449, %mul3A_447 : vector<16xi32>
    %gather3A_451 = tpu.vector_load_idx %arg6[%add3A_450] : memref<384xf32, #tpu.memory_space<vmem>>[vector<16xi32>], vector<16xf32>,
    %add3A_452 = arith.constant 1 : i32
    %add3A_453 = vector.broadcast %add3A_452 : i32 to vector<16xi32>
    %add3A_454 = arith.addi %add3A_450, %add3A_453 : vector<16xi32>
    %gather3A_455 = tpu.vector_load_idx %arg6[%add3A_454] : memref<384xf32, #tpu.memory_space<vmem>>[vector<16xi32>], vector<16xf32>,
    %add3A_456 = arith.constant 2 : i32
    %add3A_457 = vector.broadcast %add3A_456 : i32 to vector<16xi32>
    %add3A_458 = arith.addi %add3A_450, %add3A_457 : vector<16xi32>
    %gather3A_459 = tpu.vector_load_idx %arg6[%add3A_458] : memref<384xf32, #tpu.memory_space<vmem>>[vector<16xi32>], vector<16xf32>,
    %add3A_460 = arith.constant 3 : i32
    %add3A_461 = vector.broadcast %add3A_460 : i32 to vector<16xi32>
    %add3A_462 = arith.addi %add3A_450, %add3A_461 : vector<16xi32>
    %gather3A_463 = tpu.vector_load_idx %arg6[%add3A_462] : memref<384xf32, #tpu.memory_space<vmem>>[vector<16xi32>], vector<16xf32>,
    %add3A_464 = arith.constant 4 : i32
    %add3A_465 = vector.broadcast %add3A_464 : i32 to vector<16xi32>
    %add3A_466 = arith.addi %add3A_450, %add3A_465 : vector<16xi32>
    %gather3A_467 = tpu.vector_load_idx %arg6[%add3A_466] : memref<384xf32, #tpu.memory_space<vmem>>[vector<16xi32>], vector<16xf32>,
    %add3A_468 = arith.constant 5 : i32
    %add3A_469 = vector.broadcast %add3A_468 : i32 to vector<16xi32>
    %add3A_470 = arith.addi %add3A_450, %add3A_469 : vector<16xi32>
    %gather3A_471 = tpu.vector_load_idx %arg6[%add3A_470] : memref<384xf32, #tpu.memory_space<vmem>>[vector<16xi32>], vector<16xf32>,
    %mul3A_472 = arith.mulf %gather3A_463, %gather3A_463 : vector<16xf32>
    %mul3A_473 = arith.mulf %gather3A_467, %gather3A_467 : vector<16xf32>
    %add3A_474 = arith.addf %mul3A_472, %mul3A_473 : vector<16xf32>
    %mul3A_475 = arith.mulf %gather3A_471, %gather3A_471 : vector<16xf32>
    %add3A_476 = arith.addf %add3A_474, %mul3A_475 : vector<16xf32>
    %mul3A_477 = arith.constant -2.755732E-7 : f32
    %mul3A_478 = vector.broadcast %mul3A_477 : f32 to vector<16xf32>
    %mul3A_479 = arith.mulf %add3A_476, %mul3A_478 : vector<16xf32>
    %add3A_480 = arith.constant 2.48015876E-5 : f32
    %add3A_481 = vector.broadcast %add3A_480 : f32 to vector<16xf32>
    %add3A_482 = arith.addf %add3A_481, %mul3A_479 : vector<16xf32>
    %mul3A_483 = arith.mulf %add3A_476, %add3A_482 : vector<16xf32>
    %add3A_484 = arith.constant -0.00138888892 : f32
    %add3A_485 = vector.broadcast %add3A_484 : f32 to vector<16xf32>
    %add3A_486 = arith.addf %add3A_485, %mul3A_483 : vector<16xf32>
    %mul3A_487 = arith.mulf %add3A_476, %add3A_486 : vector<16xf32>
    %add3A_488 = arith.constant 0.0416666679 : f32
    %add3A_489 = vector.broadcast %add3A_488 : f32 to vector<16xf32>
    %add3A_490 = arith.addf %add3A_489, %mul3A_487 : vector<16xf32>
    %mul3A_491 = arith.mulf %add3A_476, %add3A_490 : vector<16xf32>
    %add3A_492 = arith.constant -5.000000e-01 : f32
    %add3A_493 = vector.broadcast %add3A_492 : f32 to vector<16xf32>
    %add3A_494 = arith.addf %add3A_493, %mul3A_491 : vector<16xf32>
    %mul3A_495 = arith.mulf %add3A_476, %add3A_494 : vector<16xf32>
    %add3A_496 = arith.constant 1.000000e+00 : f32
    %add3A_497 = vector.broadcast %add3A_496 : f32 to vector<16xf32>
    %add3A_498 = arith.addf %add3A_497, %mul3A_495 : vector<16xf32>
    %mul3A_499 = arith.constant -2.50521079E-8 : f32
    %mul3A_500 = vector.broadcast %mul3A_499 : f32 to vector<16xf32>
    %mul3A_501 = arith.mulf %add3A_476, %mul3A_500 : vector<16xf32>
    %add3A_502 = arith.constant 2.75573188E-6 : f32
    %add3A_503 = vector.broadcast %add3A_502 : f32 to vector<16xf32>
    %add3A_504 = arith.addf %add3A_503, %mul3A_501 : vector<16xf32>
    %mul3A_505 = arith.mulf %add3A_476, %add3A_504 : vector<16xf32>
    %add3A_506 = arith.constant -1.98412701E-4 : f32
    %add3A_507 = vector.broadcast %add3A_506 : f32 to vector<16xf32>
    %add3A_508 = arith.addf %add3A_507, %mul3A_505 : vector<16xf32>
    %mul3A_509 = arith.mulf %add3A_476, %add3A_508 : vector<16xf32>
    %add3A_510 = arith.constant 0.00833333377 : f32
    %add3A_511 = vector.broadcast %add3A_510 : f32 to vector<16xf32>
    %add3A_512 = arith.addf %add3A_511, %mul3A_509 : vector<16xf32>
    %mul3A_513 = arith.mulf %add3A_476, %add3A_512 : vector<16xf32>
    %add3A_514 = arith.constant -0.166666672 : f32
    %add3A_515 = vector.broadcast %add3A_514 : f32 to vector<16xf32>
    %add3A_516 = arith.addf %add3A_515, %mul3A_513 : vector<16xf32>
    %mul3A_517 = arith.mulf %add3A_476, %add3A_516 : vector<16xf32>
    %add3A_518 = arith.constant 1.000000e+00 : f32
    %add3A_519 = vector.broadcast %add3A_518 : f32 to vector<16xf32>
    %add3A_520 = arith.addf %add3A_519, %mul3A_517 : vector<16xf32>
    %mul3A_521 = arith.constant -2.08767559E-9 : f32
    %mul3A_522 = vector.broadcast %mul3A_521 : f32 to vector<16xf32>
    %mul3A_523 = arith.mulf %add3A_476, %mul3A_522 : vector<16xf32>
    %add3A_524 = arith.constant 2.755732E-7 : f32
    %add3A_525 = vector.broadcast %add3A_524 : f32 to vector<16xf32>
    %add3A_526 = arith.addf %add3A_525, %mul3A_523 : vector<16xf32>
    %mul3A_527 = arith.mulf %add3A_476, %add3A_526 : vector<16xf32>
    %add3A_528 = arith.constant -2.48015876E-5 : f32
    %add3A_529 = vector.broadcast %add3A_528 : f32 to vector<16xf32>
    %add3A_530 = arith.addf %add3A_529, %mul3A_527 : vector<16xf32>
    %mul3A_531 = arith.mulf %add3A_476, %add3A_530 : vector<16xf32>
    %add3A_532 = arith.constant 0.00138888892 : f32
    %add3A_533 = vector.broadcast %add3A_532 : f32 to vector<16xf32>
    %add3A_534 = arith.addf %add3A_533, %mul3A_531 : vector<16xf32>
    %mul3A_535 = arith.mulf %add3A_476, %add3A_534 : vector<16xf32>
    %add3A_536 = arith.constant -0.0416666679 : f32
    %add3A_537 = vector.broadcast %add3A_536 : f32 to vector<16xf32>
    %add3A_538 = arith.addf %add3A_537, %mul3A_535 : vector<16xf32>
    %mul3A_539 = arith.mulf %add3A_476, %add3A_538 : vector<16xf32>
    %add3A_540 = arith.constant 5.000000e-01 : f32
    %add3A_541 = vector.broadcast %add3A_540 : f32 to vector<16xf32>
    %add3A_542 = arith.addf %add3A_541, %mul3A_539 : vector<16xf32>
    %mul3A_543 = arith.mulf %add3A_520, %gather3A_463 : vector<16xf32>
    %mul3A_544 = arith.mulf %add3A_520, %gather3A_467 : vector<16xf32>
    %mul3A_545 = arith.mulf %add3A_520, %gather3A_471 : vector<16xf32>
    %mul3A_546 = arith.mulf %add3A_542, %gather3A_463 : vector<16xf32>
    %mul3A_547 = arith.mulf %add3A_542, %gather3A_467 : vector<16xf32>
    %mul3A_548 = arith.mulf %mul3A_546, %gather3A_467 : vector<16xf32>
    %mul3A_549 = arith.mulf %mul3A_546, %gather3A_471 : vector<16xf32>
    %mul3A_550 = arith.mulf %mul3A_547, %gather3A_471 : vector<16xf32>
    %mul3A_551 = arith.mulf %mul3A_546, %gather3A_463 : vector<16xf32>
    %add3A_552 = arith.addf %mul3A_551, %add3A_498 : vector<16xf32>
    %sub3A_553 = arith.subf %mul3A_548, %mul3A_545 : vector<16xf32>
    %add3A_554 = arith.addf %mul3A_549, %mul3A_544 : vector<16xf32>
    %add3A_555 = arith.addf %mul3A_548, %mul3A_545 : vector<16xf32>
    %mul3A_556 = arith.mulf %mul3A_547, %gather3A_467 : vector<16xf32>
    %add3A_557 = arith.addf %mul3A_556, %add3A_498 : vector<16xf32>
    %sub3A_558 = arith.subf %mul3A_550, %mul3A_543 : vector<16xf32>
    %sub3A_559 = arith.subf %mul3A_549, %mul3A_544 : vector<16xf32>
    %add3A_560 = arith.addf %mul3A_550, %mul3A_543 : vector<16xf32>
    %mul3A_561 = arith.mulf %add3A_542, %gather3A_471 : vector<16xf32>
    %mul3A_562 = arith.mulf %mul3A_561, %gather3A_471 : vector<16xf32>
    %add3A_563 = arith.addf %mul3A_562, %add3A_498 : vector<16xf32>
    %add3A_564 = arith.constant 48 : i32
    %add3A_565 = vector.broadcast %add3A_564 : i32 to vector<16xi32>
    %add3A_566 = arith.addi %add3A_565, %iota3A : vector<16xi32>
    %broadcast_in_dim3A_567 = arith.constant 0 : i32
    %broadcast_in_dim3A_568 = vector.broadcast %broadcast_in_dim3A_567 : i32 to vector<16xi32>
    tpu.vector_store_idx %arg7[%add3A_566, %broadcast_in_dim3A_568], %add3A_552 : memref<64x16xf32, #tpu.memory_space<vmem>>[vector<16xi32>, vector<16xi32>], vector<16xf32>,
    %broadcast_in_dim3A_569 = arith.constant 1 : i32
    %broadcast_in_dim3A_570 = vector.broadcast %broadcast_in_dim3A_569 : i32 to vector<16xi32>
    tpu.vector_store_idx %arg7[%add3A_566, %broadcast_in_dim3A_570], %sub3A_553 : memref<64x16xf32, #tpu.memory_space<vmem>>[vector<16xi32>, vector<16xi32>], vector<16xf32>,
    %broadcast_in_dim3A_571 = arith.constant 2 : i32
    %broadcast_in_dim3A_572 = vector.broadcast %broadcast_in_dim3A_571 : i32 to vector<16xi32>
    tpu.vector_store_idx %arg7[%add3A_566, %broadcast_in_dim3A_572], %add3A_554 : memref<64x16xf32, #tpu.memory_space<vmem>>[vector<16xi32>, vector<16xi32>], vector<16xf32>,
    %broadcast_in_dim3A_573 = arith.constant 3 : i32
    %broadcast_in_dim3A_574 = vector.broadcast %broadcast_in_dim3A_573 : i32 to vector<16xi32>
    tpu.vector_store_idx %arg7[%add3A_566, %broadcast_in_dim3A_574], %gather3A_451 : memref<64x16xf32, #tpu.memory_space<vmem>>[vector<16xi32>, vector<16xi32>], vector<16xf32>,
    %broadcast_in_dim3A_575 = arith.constant 4 : i32
    %broadcast_in_dim3A_576 = vector.broadcast %broadcast_in_dim3A_575 : i32 to vector<16xi32>
    tpu.vector_store_idx %arg7[%add3A_566, %broadcast_in_dim3A_576], %add3A_555 : memref<64x16xf32, #tpu.memory_space<vmem>>[vector<16xi32>, vector<16xi32>], vector<16xf32>,
    %broadcast_in_dim3A_577 = arith.constant 5 : i32
    %broadcast_in_dim3A_578 = vector.broadcast %broadcast_in_dim3A_577 : i32 to vector<16xi32>
    tpu.vector_store_idx %arg7[%add3A_566, %broadcast_in_dim3A_578], %add3A_557 : memref<64x16xf32, #tpu.memory_space<vmem>>[vector<16xi32>, vector<16xi32>], vector<16xf32>,
    %broadcast_in_dim3A_579 = arith.constant 6 : i32
    %broadcast_in_dim3A_580 = vector.broadcast %broadcast_in_dim3A_579 : i32 to vector<16xi32>
    tpu.vector_store_idx %arg7[%add3A_566, %broadcast_in_dim3A_580], %sub3A_558 : memref<64x16xf32, #tpu.memory_space<vmem>>[vector<16xi32>, vector<16xi32>], vector<16xf32>,
    %broadcast_in_dim3A_581 = arith.constant 7 : i32
    %broadcast_in_dim3A_582 = vector.broadcast %broadcast_in_dim3A_581 : i32 to vector<16xi32>
    tpu.vector_store_idx %arg7[%add3A_566, %broadcast_in_dim3A_582], %gather3A_455 : memref<64x16xf32, #tpu.memory_space<vmem>>[vector<16xi32>, vector<16xi32>], vector<16xf32>,
    %broadcast_in_dim3A_583 = arith.constant 8 : i32
    %broadcast_in_dim3A_584 = vector.broadcast %broadcast_in_dim3A_583 : i32 to vector<16xi32>
    tpu.vector_store_idx %arg7[%add3A_566, %broadcast_in_dim3A_584], %sub3A_559 : memref<64x16xf32, #tpu.memory_space<vmem>>[vector<16xi32>, vector<16xi32>], vector<16xf32>,
    %broadcast_in_dim3A_585 = arith.constant 9 : i32
    %broadcast_in_dim3A_586 = vector.broadcast %broadcast_in_dim3A_585 : i32 to vector<16xi32>
    tpu.vector_store_idx %arg7[%add3A_566, %broadcast_in_dim3A_586], %add3A_560 : memref<64x16xf32, #tpu.memory_space<vmem>>[vector<16xi32>, vector<16xi32>], vector<16xf32>,
    %broadcast_in_dim3A_587 = arith.constant 10 : i32
    %broadcast_in_dim3A_588 = vector.broadcast %broadcast_in_dim3A_587 : i32 to vector<16xi32>
    tpu.vector_store_idx %arg7[%add3A_566, %broadcast_in_dim3A_588], %add3A_563 : memref<64x16xf32, #tpu.memory_space<vmem>>[vector<16xi32>, vector<16xi32>], vector<16xf32>,
    %broadcast_in_dim3A_589 = arith.constant 11 : i32
    %broadcast_in_dim3A_590 = vector.broadcast %broadcast_in_dim3A_589 : i32 to vector<16xi32>
    tpu.vector_store_idx %arg7[%add3A_566, %broadcast_in_dim3A_590], %gather3A_459 : memref<64x16xf32, #tpu.memory_space<vmem>>[vector<16xi32>, vector<16xi32>], vector<16xf32>,
    %lt3A_591 = arith.constant 15 : i32
    %lt3A_592 = arith.cmpi slt, %arg1, %lt3A_591 : i32
    %convert_element_type3A_593 = arith.extui %lt3A_592 : i1 to i32
    %cond3A_594 = arith.constant 0 : i32
    %cond3A_595 = arith.cmpi ne, %convert_element_type3A_593, %cond3A_594 : i32
    scf.if %cond3A_595 {
      %mul3A_754 = arith.constant 64 : i32
      %mul3A_755 = arith.muli %arg1, %mul3A_754 : i32
      "tpu.region"() ({
        %run_scoped3A = tpu.sem_alloc : memref<!tpu.dma_semaphore, #tpu.memory_space<semaphore_mem>>
        %dma_start3A_756 = arith.constant 0 : i32
        %dma_start3A_757 = tpu.memref_slice %arg5[%mul3A_755, %dma_start3A_756] : memref<1024x16xf32, #tpu.memory_space<hbm>> -> memref<64x16xf32, #tpu.memory_space<hbm>>
        %dma_start3A_758 = arith.constant 0 : i32
        %dma_start3A_759 = tpu.memref_slice %arg5[%mul3A_755, %dma_start3A_758] : memref<1024x16xf32, #tpu.memory_space<hbm>> -> memref<64x16xf32, #tpu.memory_space<hbm>>
        tpu.enqueue_dma source(%arg7 : memref<64x16xf32, #tpu.memory_space<vmem>>) target(%dma_start3A_759 : memref<64x16xf32, #tpu.memory_space<hbm>>) target_semaphore(%run_scoped3A : memref<!tpu.dma_semaphore, #tpu.memory_space<semaphore_mem>>)
        %dma_wait3A_760 = arith.constant 0 : i32
        %dma_wait3A_761 = tpu.memref_slice %arg5[%mul3A_755, %dma_wait3A_760] : memref<1024x16xf32, #tpu.memory_space<hbm>> -> memref<64x16xf32, #tpu.memory_space<hbm>>
        %dma_wait3A_762 = arith.constant 0 : i32
        %dma_wait3A_763 = tpu.memref_slice %arg5[%mul3A_755, %dma_wait3A_762] : memref<1024x16xf32, #tpu.memory_space<hbm>> -> memref<64x16xf32, #tpu.memory_space<hbm>>
        tpu.wait_dma2 semaphore(%run_scoped3A : memref<!tpu.dma_semaphore, #tpu.memory_space<semaphore_mem>>) src(%arg7 : memref<64x16xf32, #tpu.memory_space<vmem>>) dst(%dma_wait3A_763 : memref<64x16xf32, #tpu.memory_space<hbm>>)
        tpu.yield
      }) : () -> ()
    } else {
    }
    %eq3A_596 = arith.constant 15 : i32
    %eq3A_597 = arith.cmpi eq, %arg1, %eq3A_596 : i32
    %convert_element_type3A_598 = arith.extui %eq3A_597 : i1 to i32
    %cond3A_599 = arith.constant 0 : i32
    %cond3A_600 = arith.cmpi ne, %convert_element_type3A_598, %cond3A_599 : i32
    scf.if %cond3A_600 {
      "tpu.region"() ({
        %run_scoped3A = tpu.sem_alloc : memref<!tpu.dma_semaphore, #tpu.memory_space<semaphore_mem>>
        %dma_start3A_754 = arith.constant 0 : i32
        %dma_start3A_755 = arith.constant 0 : i32
        %dma_start3A_756 = tpu.memref_slice %arg7[%dma_start3A_754, %dma_start3A_755] : memref<64x16xf32, #tpu.memory_space<vmem>> -> memref<40x16xf32, #tpu.memory_space<vmem>>
        %dma_start3A_757 = arith.constant 960 : i32
        %dma_start3A_758 = arith.constant 0 : i32
        %dma_start3A_759 = tpu.memref_slice %arg5[%dma_start3A_757, %dma_start3A_758] : memref<1024x16xf32, #tpu.memory_space<hbm>> -> memref<40x16xf32, #tpu.memory_space<hbm>>
        %dma_start3A_760 = arith.constant 960 : i32
        %dma_start3A_761 = arith.constant 0 : i32
        %dma_start3A_762 = tpu.memref_slice %arg5[%dma_start3A_760, %dma_start3A_761] : memref<1024x16xf32, #tpu.memory_space<hbm>> -> memref<40x16xf32, #tpu.memory_space<hbm>>
        %dma_start3A_763 = arith.constant 0 : i32
        %dma_start3A_764 = arith.constant 0 : i32
        %dma_start3A_765 = tpu.memref_slice %arg7[%dma_start3A_763, %dma_start3A_764] : memref<64x16xf32, #tpu.memory_space<vmem>> -> memref<40x16xf32, #tpu.memory_space<vmem>>
        tpu.enqueue_dma source(%dma_start3A_765 : memref<40x16xf32, #tpu.memory_space<vmem>>) target(%dma_start3A_762 : memref<40x16xf32, #tpu.memory_space<hbm>>) target_semaphore(%run_scoped3A : memref<!tpu.dma_semaphore, #tpu.memory_space<semaphore_mem>>)
        %dma_wait3A_766 = arith.constant 0 : i32
        %dma_wait3A_767 = arith.constant 0 : i32
        %dma_wait3A_768 = tpu.memref_slice %arg7[%dma_wait3A_766, %dma_wait3A_767] : memref<64x16xf32, #tpu.memory_space<vmem>> -> memref<40x16xf32, #tpu.memory_space<vmem>>
        %dma_wait3A_769 = arith.constant 960 : i32
        %dma_wait3A_770 = arith.constant 0 : i32
        %dma_wait3A_771 = tpu.memref_slice %arg5[%dma_wait3A_769, %dma_wait3A_770] : memref<1024x16xf32, #tpu.memory_space<hbm>> -> memref<40x16xf32, #tpu.memory_space<hbm>>
        %dma_wait3A_772 = arith.constant 960 : i32
        %dma_wait3A_773 = arith.constant 0 : i32
        %dma_wait3A_774 = tpu.memref_slice %arg5[%dma_wait3A_772, %dma_wait3A_773] : memref<1024x16xf32, #tpu.memory_space<hbm>> -> memref<40x16xf32, #tpu.memory_space<hbm>>
        %dma_wait3A_775 = arith.constant 0 : i32
        %dma_wait3A_776 = arith.constant 0 : i32
        %dma_wait3A_777 = tpu.memref_slice %arg7[%dma_wait3A_775, %dma_wait3A_776] : memref<64x16xf32, #tpu.memory_space<vmem>> -> memref<40x16xf32, #tpu.memory_space<vmem>>
        tpu.wait_dma2 semaphore(%run_scoped3A : memref<!tpu.dma_semaphore, #tpu.memory_space<semaphore_mem>>) src(%dma_wait3A_777 : memref<40x16xf32, #tpu.memory_space<vmem>>) dst(%dma_wait3A_774 : memref<40x16xf32, #tpu.memory_space<hbm>>)
        tpu.yield
      }) : () -> ()
    } else {
    }
    %barrier3A = arith.constant 0 : index
    tpu.barrier barrier_id(%barrier3A)
    %dma_wait3A = tpu.memref_slice %arg3[%mul3A_2] : memref<16384xi32, #tpu.memory_space<hbm>> -> memref<512xi32, #tpu.memory_space<hbm>>
    %dma_wait3A_601 = tpu.memref_slice %arg3[%mul3A_2] : memref<16384xi32, #tpu.memory_space<hbm>> -> memref<512xi32, #tpu.memory_space<hbm>>
    tpu.wait_dma2 semaphore(%arg12 : memref<!tpu.dma_semaphore, #tpu.memory_space<semaphore_mem>>) src(%dma_wait3A_601 : memref<512xi32, #tpu.memory_space<hbm>>) dst(%arg8 : memref<512xi32, #tpu.memory_space<vmem>>)
    %dma_start3A_602 = arith.constant 0 : i32
    %dma_start3A_603 = arith.constant 0 : i32
    %dma_start3A_604 = tpu.memref_slice %arg9[%dma_start3A_602, %dma_start3A_603] : memref<512x16xf32, #tpu.memory_space<vmem>> -> memref<128x16xf32, #tpu.memory_space<vmem>>
    %dma_start3A_605 = arith.constant 0 : i32
    %dma_start3A_606 = tpu.memref_slice %arg8[%dma_start3A_605] : memref<512xi32, #tpu.memory_space<vmem>> -> memref<128xi32, #tpu.memory_space<vmem>>
    %dma_start3A_607 = arith.constant 0 : i32
    %dma_start3A_608 = arith.constant 0 : i32
    %dma_start3A_609 = tpu.memref_slice %arg5[%dma_start3A_607, %dma_start3A_608] : memref<1024x16xf32, #tpu.memory_space<hbm>> -> memref<1024x16xf32, #tpu.memory_space<hbm>>
    tpu.enqueue_indirect_dma source(%dma_start3A_609 : memref<1024x16xf32, #tpu.memory_space<hbm>>) target(%dma_start3A_604 : memref<128x16xf32, #tpu.memory_space<vmem>>) offsets(%dma_start3A_606 : memref<128xi32, #tpu.memory_space<vmem>>) semaphore(%arg10 : memref<!tpu.dma_semaphore, #tpu.memory_space<semaphore_mem>>)
    %dma_start3A_610 = arith.constant 128 : i32
    %dma_start3A_611 = arith.constant 0 : i32
    %dma_start3A_612 = tpu.memref_slice %arg9[%dma_start3A_610, %dma_start3A_611] : memref<512x16xf32, #tpu.memory_space<vmem>> -> memref<128x16xf32, #tpu.memory_space<vmem>>
    %dma_start3A_613 = arith.constant 128 : i32
    %dma_start3A_614 = tpu.memref_slice %arg8[%dma_start3A_613] : memref<512xi32, #tpu.memory_space<vmem>> -> memref<128xi32, #tpu.memory_space<vmem>>
    %dma_start3A_615 = arith.constant 0 : i32
    %dma_start3A_616 = arith.constant 0 : i32
    %dma_start3A_617 = tpu.memref_slice %arg5[%dma_start3A_615, %dma_start3A_616] : memref<1024x16xf32, #tpu.memory_space<hbm>> -> memref<1024x16xf32, #tpu.memory_space<hbm>>
    tpu.enqueue_indirect_dma source(%dma_start3A_617 : memref<1024x16xf32, #tpu.memory_space<hbm>>) target(%dma_start3A_612 : memref<128x16xf32, #tpu.memory_space<vmem>>) offsets(%dma_start3A_614 : memref<128xi32, #tpu.memory_space<vmem>>) semaphore(%arg10 : memref<!tpu.dma_semaphore, #tpu.memory_space<semaphore_mem>>)
    %dma_start3A_618 = arith.constant 256 : i32
    %dma_start3A_619 = arith.constant 0 : i32
    %dma_start3A_620 = tpu.memref_slice %arg9[%dma_start3A_618, %dma_start3A_619] : memref<512x16xf32, #tpu.memory_space<vmem>> -> memref<128x16xf32, #tpu.memory_space<vmem>>
    %dma_start3A_621 = arith.constant 256 : i32
    %dma_start3A_622 = tpu.memref_slice %arg8[%dma_start3A_621] : memref<512xi32, #tpu.memory_space<vmem>> -> memref<128xi32, #tpu.memory_space<vmem>>
    %dma_start3A_623 = arith.constant 0 : i32
    %dma_start3A_624 = arith.constant 0 : i32
    %dma_start3A_625 = tpu.memref_slice %arg5[%dma_start3A_623, %dma_start3A_624] : memref<1024x16xf32, #tpu.memory_space<hbm>> -> memref<1024x16xf32, #tpu.memory_space<hbm>>
    tpu.enqueue_indirect_dma source(%dma_start3A_625 : memref<1024x16xf32, #tpu.memory_space<hbm>>) target(%dma_start3A_620 : memref<128x16xf32, #tpu.memory_space<vmem>>) offsets(%dma_start3A_622 : memref<128xi32, #tpu.memory_space<vmem>>) semaphore(%arg10 : memref<!tpu.dma_semaphore, #tpu.memory_space<semaphore_mem>>)
    %dma_start3A_626 = arith.constant 384 : i32
    %dma_start3A_627 = arith.constant 0 : i32
    %dma_start3A_628 = tpu.memref_slice %arg9[%dma_start3A_626, %dma_start3A_627] : memref<512x16xf32, #tpu.memory_space<vmem>> -> memref<128x16xf32, #tpu.memory_space<vmem>>
    %dma_start3A_629 = arith.constant 384 : i32
    %dma_start3A_630 = tpu.memref_slice %arg8[%dma_start3A_629] : memref<512xi32, #tpu.memory_space<vmem>> -> memref<128xi32, #tpu.memory_space<vmem>>
    %dma_start3A_631 = arith.constant 0 : i32
    %dma_start3A_632 = arith.constant 0 : i32
    %dma_start3A_633 = tpu.memref_slice %arg5[%dma_start3A_631, %dma_start3A_632] : memref<1024x16xf32, #tpu.memory_space<hbm>> -> memref<1024x16xf32, #tpu.memory_space<hbm>>
    tpu.enqueue_indirect_dma source(%dma_start3A_633 : memref<1024x16xf32, #tpu.memory_space<hbm>>) target(%dma_start3A_628 : memref<128x16xf32, #tpu.memory_space<vmem>>) offsets(%dma_start3A_630 : memref<128xi32, #tpu.memory_space<vmem>>) semaphore(%arg10 : memref<!tpu.dma_semaphore, #tpu.memory_space<semaphore_mem>>)
    %dma_wait3A_634 = arith.constant 0 : i32
    %dma_wait3A_635 = arith.constant 0 : i32
    %dma_wait3A_636 = tpu.memref_slice %arg9[%dma_wait3A_634, %dma_wait3A_635] : memref<512x16xf32, #tpu.memory_space<vmem>> -> memref<128x16xf32, #tpu.memory_space<vmem>>
    %dma_wait3A_637 = arith.constant 0 : i32
    %dma_wait3A_638 = tpu.memref_slice %arg8[%dma_wait3A_637] : memref<512xi32, #tpu.memory_space<vmem>> -> memref<128xi32, #tpu.memory_space<vmem>>
    %dma_wait3A_639 = arith.constant 0 : i32
    %dma_wait3A_640 = arith.constant 0 : i32
    %dma_wait3A_641 = tpu.memref_slice %arg5[%dma_wait3A_639, %dma_wait3A_640] : memref<1024x16xf32, #tpu.memory_space<hbm>> -> memref<1024x16xf32, #tpu.memory_space<hbm>>
    tpu.wait_indirect_dma semaphore(%arg10 : memref<!tpu.dma_semaphore, #tpu.memory_space<semaphore_mem>>) src(%dma_wait3A_641 : memref<1024x16xf32, #tpu.memory_space<hbm>>) dst(%dma_wait3A_636 : memref<128x16xf32, #tpu.memory_space<vmem>>)
    %add3A_642 = arith.constant 0 : i32
    %add3A_643 = arith.addi %mul3A_2, %add3A_642 : i32
    %dma_start3A_644 = arith.constant 0 : i32
    %dma_start3A_645 = arith.constant 0 : i32
    %dma_start3A_646 = tpu.memref_slice %arg9[%dma_start3A_644, %dma_start3A_645] : memref<512x16xf32, #tpu.memory_space<vmem>> -> memref<128x16xf32, #tpu.memory_space<vmem>>
    %dma_start3A_647 = arith.constant 0 : i32
    %dma_start3A_648 = tpu.memref_slice %arg4[%add3A_643, %dma_start3A_647] : memref<16384x16xf32, #tpu.memory_space<hbm>> -> memref<128x16xf32, #tpu.memory_space<hbm>>
    %dma_start3A_649 = arith.constant 0 : i32
    %dma_start3A_650 = tpu.memref_slice %arg4[%add3A_643, %dma_start3A_649] : memref<16384x16xf32, #tpu.memory_space<hbm>> -> memref<128x16xf32, #tpu.memory_space<hbm>>
    %dma_start3A_651 = arith.constant 0 : i32
    %dma_start3A_652 = arith.constant 0 : i32
    %dma_start3A_653 = tpu.memref_slice %arg9[%dma_start3A_651, %dma_start3A_652] : memref<512x16xf32, #tpu.memory_space<vmem>> -> memref<128x16xf32, #tpu.memory_space<vmem>>
    tpu.enqueue_dma source(%dma_start3A_653 : memref<128x16xf32, #tpu.memory_space<vmem>>) target(%dma_start3A_650 : memref<128x16xf32, #tpu.memory_space<hbm>>) target_semaphore(%arg11 : memref<!tpu.dma_semaphore, #tpu.memory_space<semaphore_mem>>)
    %dma_wait3A_654 = arith.constant 128 : i32
    %dma_wait3A_655 = arith.constant 0 : i32
    %dma_wait3A_656 = tpu.memref_slice %arg9[%dma_wait3A_654, %dma_wait3A_655] : memref<512x16xf32, #tpu.memory_space<vmem>> -> memref<128x16xf32, #tpu.memory_space<vmem>>
    %dma_wait3A_657 = arith.constant 128 : i32
    %dma_wait3A_658 = tpu.memref_slice %arg8[%dma_wait3A_657] : memref<512xi32, #tpu.memory_space<vmem>> -> memref<128xi32, #tpu.memory_space<vmem>>
    %dma_wait3A_659 = arith.constant 0 : i32
    %dma_wait3A_660 = arith.constant 0 : i32
    %dma_wait3A_661 = tpu.memref_slice %arg5[%dma_wait3A_659, %dma_wait3A_660] : memref<1024x16xf32, #tpu.memory_space<hbm>> -> memref<1024x16xf32, #tpu.memory_space<hbm>>
    tpu.wait_indirect_dma semaphore(%arg10 : memref<!tpu.dma_semaphore, #tpu.memory_space<semaphore_mem>>) src(%dma_wait3A_661 : memref<1024x16xf32, #tpu.memory_space<hbm>>) dst(%dma_wait3A_656 : memref<128x16xf32, #tpu.memory_space<vmem>>)
    %add3A_662 = arith.constant 128 : i32
    %add3A_663 = arith.addi %mul3A_2, %add3A_662 : i32
    %dma_start3A_664 = arith.constant 128 : i32
    %dma_start3A_665 = arith.constant 0 : i32
    %dma_start3A_666 = tpu.memref_slice %arg9[%dma_start3A_664, %dma_start3A_665] : memref<512x16xf32, #tpu.memory_space<vmem>> -> memref<128x16xf32, #tpu.memory_space<vmem>>
    %dma_start3A_667 = arith.constant 0 : i32
    %dma_start3A_668 = tpu.memref_slice %arg4[%add3A_663, %dma_start3A_667] : memref<16384x16xf32, #tpu.memory_space<hbm>> -> memref<128x16xf32, #tpu.memory_space<hbm>>
    %dma_start3A_669 = arith.constant 0 : i32
    %dma_start3A_670 = tpu.memref_slice %arg4[%add3A_663, %dma_start3A_669] : memref<16384x16xf32, #tpu.memory_space<hbm>> -> memref<128x16xf32, #tpu.memory_space<hbm>>
    %dma_start3A_671 = arith.constant 128 : i32
    %dma_start3A_672 = arith.constant 0 : i32
    %dma_start3A_673 = tpu.memref_slice %arg9[%dma_start3A_671, %dma_start3A_672] : memref<512x16xf32, #tpu.memory_space<vmem>> -> memref<128x16xf32, #tpu.memory_space<vmem>>
    tpu.enqueue_dma source(%dma_start3A_673 : memref<128x16xf32, #tpu.memory_space<vmem>>) target(%dma_start3A_670 : memref<128x16xf32, #tpu.memory_space<hbm>>) target_semaphore(%arg11 : memref<!tpu.dma_semaphore, #tpu.memory_space<semaphore_mem>>)
    %dma_wait3A_674 = arith.constant 256 : i32
    %dma_wait3A_675 = arith.constant 0 : i32
    %dma_wait3A_676 = tpu.memref_slice %arg9[%dma_wait3A_674, %dma_wait3A_675] : memref<512x16xf32, #tpu.memory_space<vmem>> -> memref<128x16xf32, #tpu.memory_space<vmem>>
    %dma_wait3A_677 = arith.constant 256 : i32
    %dma_wait3A_678 = tpu.memref_slice %arg8[%dma_wait3A_677] : memref<512xi32, #tpu.memory_space<vmem>> -> memref<128xi32, #tpu.memory_space<vmem>>
    %dma_wait3A_679 = arith.constant 0 : i32
    %dma_wait3A_680 = arith.constant 0 : i32
    %dma_wait3A_681 = tpu.memref_slice %arg5[%dma_wait3A_679, %dma_wait3A_680] : memref<1024x16xf32, #tpu.memory_space<hbm>> -> memref<1024x16xf32, #tpu.memory_space<hbm>>
    tpu.wait_indirect_dma semaphore(%arg10 : memref<!tpu.dma_semaphore, #tpu.memory_space<semaphore_mem>>) src(%dma_wait3A_681 : memref<1024x16xf32, #tpu.memory_space<hbm>>) dst(%dma_wait3A_676 : memref<128x16xf32, #tpu.memory_space<vmem>>)
    %add3A_682 = arith.constant 256 : i32
    %add3A_683 = arith.addi %mul3A_2, %add3A_682 : i32
    %dma_start3A_684 = arith.constant 256 : i32
    %dma_start3A_685 = arith.constant 0 : i32
    %dma_start3A_686 = tpu.memref_slice %arg9[%dma_start3A_684, %dma_start3A_685] : memref<512x16xf32, #tpu.memory_space<vmem>> -> memref<128x16xf32, #tpu.memory_space<vmem>>
    %dma_start3A_687 = arith.constant 0 : i32
    %dma_start3A_688 = tpu.memref_slice %arg4[%add3A_683, %dma_start3A_687] : memref<16384x16xf32, #tpu.memory_space<hbm>> -> memref<128x16xf32, #tpu.memory_space<hbm>>
    %dma_start3A_689 = arith.constant 0 : i32
    %dma_start3A_690 = tpu.memref_slice %arg4[%add3A_683, %dma_start3A_689] : memref<16384x16xf32, #tpu.memory_space<hbm>> -> memref<128x16xf32, #tpu.memory_space<hbm>>
    %dma_start3A_691 = arith.constant 256 : i32
    %dma_start3A_692 = arith.constant 0 : i32
    %dma_start3A_693 = tpu.memref_slice %arg9[%dma_start3A_691, %dma_start3A_692] : memref<512x16xf32, #tpu.memory_space<vmem>> -> memref<128x16xf32, #tpu.memory_space<vmem>>
    tpu.enqueue_dma source(%dma_start3A_693 : memref<128x16xf32, #tpu.memory_space<vmem>>) target(%dma_start3A_690 : memref<128x16xf32, #tpu.memory_space<hbm>>) target_semaphore(%arg11 : memref<!tpu.dma_semaphore, #tpu.memory_space<semaphore_mem>>)
    %dma_wait3A_694 = arith.constant 384 : i32
    %dma_wait3A_695 = arith.constant 0 : i32
    %dma_wait3A_696 = tpu.memref_slice %arg9[%dma_wait3A_694, %dma_wait3A_695] : memref<512x16xf32, #tpu.memory_space<vmem>> -> memref<128x16xf32, #tpu.memory_space<vmem>>
    %dma_wait3A_697 = arith.constant 384 : i32
    %dma_wait3A_698 = tpu.memref_slice %arg8[%dma_wait3A_697] : memref<512xi32, #tpu.memory_space<vmem>> -> memref<128xi32, #tpu.memory_space<vmem>>
    %dma_wait3A_699 = arith.constant 0 : i32
    %dma_wait3A_700 = arith.constant 0 : i32
    %dma_wait3A_701 = tpu.memref_slice %arg5[%dma_wait3A_699, %dma_wait3A_700] : memref<1024x16xf32, #tpu.memory_space<hbm>> -> memref<1024x16xf32, #tpu.memory_space<hbm>>
    tpu.wait_indirect_dma semaphore(%arg10 : memref<!tpu.dma_semaphore, #tpu.memory_space<semaphore_mem>>) src(%dma_wait3A_701 : memref<1024x16xf32, #tpu.memory_space<hbm>>) dst(%dma_wait3A_696 : memref<128x16xf32, #tpu.memory_space<vmem>>)
    %add3A_702 = arith.constant 384 : i32
    %add3A_703 = arith.addi %mul3A_2, %add3A_702 : i32
    %dma_start3A_704 = arith.constant 384 : i32
    %dma_start3A_705 = arith.constant 0 : i32
    %dma_start3A_706 = tpu.memref_slice %arg9[%dma_start3A_704, %dma_start3A_705] : memref<512x16xf32, #tpu.memory_space<vmem>> -> memref<128x16xf32, #tpu.memory_space<vmem>>
    %dma_start3A_707 = arith.constant 0 : i32
    %dma_start3A_708 = tpu.memref_slice %arg4[%add3A_703, %dma_start3A_707] : memref<16384x16xf32, #tpu.memory_space<hbm>> -> memref<128x16xf32, #tpu.memory_space<hbm>>
    %dma_start3A_709 = arith.constant 0 : i32
    %dma_start3A_710 = tpu.memref_slice %arg4[%add3A_703, %dma_start3A_709] : memref<16384x16xf32, #tpu.memory_space<hbm>> -> memref<128x16xf32, #tpu.memory_space<hbm>>
    %dma_start3A_711 = arith.constant 384 : i32
    %dma_start3A_712 = arith.constant 0 : i32
    %dma_start3A_713 = tpu.memref_slice %arg9[%dma_start3A_711, %dma_start3A_712] : memref<512x16xf32, #tpu.memory_space<vmem>> -> memref<128x16xf32, #tpu.memory_space<vmem>>
    tpu.enqueue_dma source(%dma_start3A_713 : memref<128x16xf32, #tpu.memory_space<vmem>>) target(%dma_start3A_710 : memref<128x16xf32, #tpu.memory_space<hbm>>) target_semaphore(%arg11 : memref<!tpu.dma_semaphore, #tpu.memory_space<semaphore_mem>>)
    %dma_wait3A_714 = arith.constant 0 : i32
    %dma_wait3A_715 = arith.constant 0 : i32
    %dma_wait3A_716 = tpu.memref_slice %arg9[%dma_wait3A_714, %dma_wait3A_715] : memref<512x16xf32, #tpu.memory_space<vmem>> -> memref<128x16xf32, #tpu.memory_space<vmem>>
    %dma_wait3A_717 = arith.constant 0 : i32
    %dma_wait3A_718 = tpu.memref_slice %arg4[%add3A_643, %dma_wait3A_717] : memref<16384x16xf32, #tpu.memory_space<hbm>> -> memref<128x16xf32, #tpu.memory_space<hbm>>
    %dma_wait3A_719 = arith.constant 0 : i32
    %dma_wait3A_720 = tpu.memref_slice %arg4[%add3A_643, %dma_wait3A_719] : memref<16384x16xf32, #tpu.memory_space<hbm>> -> memref<128x16xf32, #tpu.memory_space<hbm>>
    %dma_wait3A_721 = arith.constant 0 : i32
    %dma_wait3A_722 = arith.constant 0 : i32
    %dma_wait3A_723 = tpu.memref_slice %arg9[%dma_wait3A_721, %dma_wait3A_722] : memref<512x16xf32, #tpu.memory_space<vmem>> -> memref<128x16xf32, #tpu.memory_space<vmem>>
    tpu.wait_dma2 semaphore(%arg11 : memref<!tpu.dma_semaphore, #tpu.memory_space<semaphore_mem>>) src(%dma_wait3A_723 : memref<128x16xf32, #tpu.memory_space<vmem>>) dst(%dma_wait3A_720 : memref<128x16xf32, #tpu.memory_space<hbm>>)
    %dma_wait3A_724 = arith.constant 128 : i32
    %dma_wait3A_725 = arith.constant 0 : i32
    %dma_wait3A_726 = tpu.memref_slice %arg9[%dma_wait3A_724, %dma_wait3A_725] : memref<512x16xf32, #tpu.memory_space<vmem>> -> memref<128x16xf32, #tpu.memory_space<vmem>>
    %dma_wait3A_727 = arith.constant 0 : i32
    %dma_wait3A_728 = tpu.memref_slice %arg4[%add3A_663, %dma_wait3A_727] : memref<16384x16xf32, #tpu.memory_space<hbm>> -> memref<128x16xf32, #tpu.memory_space<hbm>>
    %dma_wait3A_729 = arith.constant 0 : i32
    %dma_wait3A_730 = tpu.memref_slice %arg4[%add3A_663, %dma_wait3A_729] : memref<16384x16xf32, #tpu.memory_space<hbm>> -> memref<128x16xf32, #tpu.memory_space<hbm>>
    %dma_wait3A_731 = arith.constant 128 : i32
    %dma_wait3A_732 = arith.constant 0 : i32
    %dma_wait3A_733 = tpu.memref_slice %arg9[%dma_wait3A_731, %dma_wait3A_732] : memref<512x16xf32, #tpu.memory_space<vmem>> -> memref<128x16xf32, #tpu.memory_space<vmem>>
    tpu.wait_dma2 semaphore(%arg11 : memref<!tpu.dma_semaphore, #tpu.memory_space<semaphore_mem>>) src(%dma_wait3A_733 : memref<128x16xf32, #tpu.memory_space<vmem>>) dst(%dma_wait3A_730 : memref<128x16xf32, #tpu.memory_space<hbm>>)
    %dma_wait3A_734 = arith.constant 256 : i32
    %dma_wait3A_735 = arith.constant 0 : i32
    %dma_wait3A_736 = tpu.memref_slice %arg9[%dma_wait3A_734, %dma_wait3A_735] : memref<512x16xf32, #tpu.memory_space<vmem>> -> memref<128x16xf32, #tpu.memory_space<vmem>>
    %dma_wait3A_737 = arith.constant 0 : i32
    %dma_wait3A_738 = tpu.memref_slice %arg4[%add3A_683, %dma_wait3A_737] : memref<16384x16xf32, #tpu.memory_space<hbm>> -> memref<128x16xf32, #tpu.memory_space<hbm>>
    %dma_wait3A_739 = arith.constant 0 : i32
    %dma_wait3A_740 = tpu.memref_slice %arg4[%add3A_683, %dma_wait3A_739] : memref<16384x16xf32, #tpu.memory_space<hbm>> -> memref<128x16xf32, #tpu.memory_space<hbm>>
    %dma_wait3A_741 = arith.constant 256 : i32
    %dma_wait3A_742 = arith.constant 0 : i32
    %dma_wait3A_743 = tpu.memref_slice %arg9[%dma_wait3A_741, %dma_wait3A_742] : memref<512x16xf32, #tpu.memory_space<vmem>> -> memref<128x16xf32, #tpu.memory_space<vmem>>
    tpu.wait_dma2 semaphore(%arg11 : memref<!tpu.dma_semaphore, #tpu.memory_space<semaphore_mem>>) src(%dma_wait3A_743 : memref<128x16xf32, #tpu.memory_space<vmem>>) dst(%dma_wait3A_740 : memref<128x16xf32, #tpu.memory_space<hbm>>)
    %dma_wait3A_744 = arith.constant 384 : i32
    %dma_wait3A_745 = arith.constant 0 : i32
    %dma_wait3A_746 = tpu.memref_slice %arg9[%dma_wait3A_744, %dma_wait3A_745] : memref<512x16xf32, #tpu.memory_space<vmem>> -> memref<128x16xf32, #tpu.memory_space<vmem>>
    %dma_wait3A_747 = arith.constant 0 : i32
    %dma_wait3A_748 = tpu.memref_slice %arg4[%add3A_703, %dma_wait3A_747] : memref<16384x16xf32, #tpu.memory_space<hbm>> -> memref<128x16xf32, #tpu.memory_space<hbm>>
    %dma_wait3A_749 = arith.constant 0 : i32
    %dma_wait3A_750 = tpu.memref_slice %arg4[%add3A_703, %dma_wait3A_749] : memref<16384x16xf32, #tpu.memory_space<hbm>> -> memref<128x16xf32, #tpu.memory_space<hbm>>
    %dma_wait3A_751 = arith.constant 384 : i32
    %dma_wait3A_752 = arith.constant 0 : i32
    %dma_wait3A_753 = tpu.memref_slice %arg9[%dma_wait3A_751, %dma_wait3A_752] : memref<512x16xf32, #tpu.memory_space<vmem>> -> memref<128x16xf32, #tpu.memory_space<vmem>>
    tpu.wait_dma2 semaphore(%arg11 : memref<!tpu.dma_semaphore, #tpu.memory_space<semaphore_mem>>) src(%dma_wait3A_753 : memref<128x16xf32, #tpu.memory_space<vmem>>) dst(%dma_wait3A_750 : memref<128x16xf32, #tpu.memory_space<hbm>>)
    return
  }
}

</mosaic_0001>

<sc_bundles>
// kernel: kernel.3.cloned.1.call-start
scs
__scs_entry_jumppad:
0x0: {  	(pc) =	sbr.rel $0x88, $3  }
0x1: {  	(tag) =	ssettag $0x0;
	lr =	simm.s32 $0x1  }
0x2: {  	[smem:$0x3F9F] =	sst lr;
	_ =	strace $0xD0000000  }
0x3: {  	_ = 	snop  }
0x4: {  	_ = 	snop  }
0x5: {  	_ = 	snop  }
0x6: {  	_ = 	snop  }
0x7: {  	_ = 	snop  }
__scs_overlays_trampoline_lowered:
0x8: {  	[smem:$0x3FAE] =	sst s0  }
0x9: {  	[smem:$0x3FAF] =	sst s1  }
0xa: {  	[smem:$0x3FB0] =	sst s2  }
0xb: {  	[smem:$0x3FB1] =	sst s3  }
0xc: {  	[smem:$0x3FB2] =	sst s4  }
0xd: {  	[smem:$0x3FB3] =	sst s5  }
0xe: {  	[smem:$0x3FB4] =	sst s6  }
0xf: {  	[smem:$0x3FB5] =	sst s7  }
0x10: {  	[smem:$0x3FB6] =	sst s8  }
0x11: {  	[smem:$0x3FB7] =	sst s9;
	s0 =	simm.s32 @!p0 $0x0  }
0x12: {  	s1 =	sld [smem:$0x3F9D];
	s0 =	simm.s32 @p0 $0x1  }
0x13: {  	[smem:$0x3FB8] =	sst s0;
	s0 =	simm.s32 @!p1 $0x0  }
0x14: {  	s2 =	sld [smem:$0x3F9C];
	s0 =	simm.s32 @p1 $0x1  }
0x15: {  	[smem:$0x3FB9] =	sst s0;
	s0 =	simm.s32 @!p2 $0x0  }
0x16: {  	s3 =	sld [smem:$0x3FDB];
	s0 =	simm.s32 @p2 $0x1  }
0x17: {  	s4 =	simm.s32 $0x1BF5;
	[smem:$0x3FBB] =	sst s0  }
0x18: {  	s0 =	sld [smem:$0x3F9E];
	_ =	swait.ge [sflag:s4], $0x0  }
0x19: {  	s7 =	sld [smem:$0x3F9F]  }
0x1a: {  	s8 =	sadd.s32 $0xFFFFE003, lr  }
0x1b: {  	s9 =	sadd.s32 $0xFFFFFEF7, lr;
	s5 =	simm.s32 $0xFFFFFFFF;
	p2 =	slt.u32 s8, $0xFFFFF086  }
0x1c: {  	p1 =	slt.u32 s9, $0xF7A;
	s5 =	simm.s32 @!p2 $0x0  }
0x1d: {  	s5 =	simm.s32 @p1 $0x1;
	p0 =	seq.s32 s7, s2  }
0x1e: {  	s7 =	smul.u32 @!p0 $0xF7A, s2;
	p2 =	seq.s32 @!p0 s5, $0x0  }
0x1f: {  	s9 =	smul.u32 $0xF7A, s1;
	s8 =	simm.s32 @!p0 $0x1BF5;
	p2 =	por !p2, p0  }
0x20: {  	[sflag:s8] =	ssyncset.s32 @!p0 $0xFFFFF086;
	s6 =	sadd.s32 @!p0 s3, s7;
	s7 =	simm.s32 @!p0 $0x108  }
0x21: {  	s3 =	sadd.s32 s3, s9;
	s6 =	sadd.s32 @!p0 $0x88, s6;
	s7 =	simm.s32 @p2 $0x1082  }
0x22: {  	[simem:s7], [sflag:s8] =	dma.local @!p0 [hbm:s6], $0xF7A  }
0x23: {  	s9 =	sor.u32 $0xD0000000, s2;
	s6 =	simm.s32 $0x108;
	_ =	swait.ge @!p0 [sflag:s8], $0x0  }
0x24: {  	s3 =	sadd.s32 $0x88, s3;
	s6 =	simm.s32 @!p1 $0x1082;
	[sflag:s4] =	ssyncset.s32 $0xFFFFF086  }
0x25: {  	[simem:s6], [sflag:s4] =	dma.local [hbm:s3], $0xF7A  }
0x26: {  	[smem:$0x3F9F] =	sst s1;
	(tag) =	ssettag s2;
	_ =	strace s9  }
0x27: {  	s1 =	sld [smem:$0x3FAF]  }
0x28: {  	s2 =	sld [smem:$0x3FB0]  }
0x29: {  	s4 =	sld [smem:$0x3FB2]  }
0x2a: {  	p0 =	seq.s32 s5, $0x0;
	s5 =	sld [smem:$0x3FB3]  }
0x2b: {  	s6 =	sld [smem:$0x3FB4]  }
0x2c: {  	s7 =	sld [smem:$0x3FB5]  }
0x2d: {  	s3 =	simm.s32 $0x108;
	s8 =	sld [smem:$0x3FB6]  }
0x2e: {  	s3 =	simm.s32 @!p0 $0x1082;
	s9 =	sld [smem:$0x3FB7]  }
0x2f: {  	lr =	sadd.s32 s0, s3;
	s0 =	sld [smem:$0x3FAE]  }
0x30: {  	s3 =	sld [smem:$0x3FB1]  }
0x31: {  	[smem:$0x3FBA] =	sst s10  }
0x32: {  	s10 =	sld [smem:$0x3FB8];
	_ =	sdelay $0x3  }
0x33: {  	p0 =	seq.s32 s10, $0x1;
	s10 =	sld [smem:$0x3FBA];
	_ =	sdelay $0x3  }
0x34: {  	[smem:$0x3FBA] =	sst s10  }
0x35: {  	s10 =	sld [smem:$0x3FB9];
	_ =	sdelay $0x3  }
0x36: {  	p1 =	seq.s32 s10, $0x1;
	s10 =	sld [smem:$0x3FBA];
	_ =	sdelay $0x3  }
0x37: {  	[smem:$0x3FBA] =	sst s10  }
0x38: {  	s10 =	sld [smem:$0x3FBB]  }
0x39: {  	_ = 	snop;
	(pc) =	sbr.ind lr, $3  }
0x3a: {  	_ = 	snop  }
0x3b: {  	_ = 	snop  }
0x3c: {  	p2 =	seq.s32 s10, $0x1;
	s10 =	sld [smem:$0x3FBA]  }
0x3d: {  	_ =	shalt  }
0x3e: {  	_ =	shalt  }
0x3f: {  	_ =	shalt  }
0x40: {  	_ =	shalt  }
0x41: {  	_ =	shalt  }
0x42: {  	_ =	shalt  }
0x43: {  	_ =	shalt  }
0x44: {  	_ =	shalt  }
0x45: {  	_ =	shalt  }
0x46: {  	_ =	shalt  }
0x47: {  	_ =	shalt  }
0x48: {  	_ =	shalt  }
0x49: {  	_ =	shalt  }
0x4a: {  	_ =	shalt  }
0x4b: {  	_ =	shalt  }
0x4c: {  	_ =	shalt  }
0x4d: {  	_ =	shalt  }
0x4e: {  	_ =	shalt  }
0x4f: {  	_ =	shalt  }
0x50: {  	_ =	shalt  }
0x51: {  	_ =	shalt  }
0x52: {  	_ =	shalt  }
0x53: {  	_ =	shalt  }
0x54: {  	_ =	shalt  }
0x55: {  	_ =	shalt  }
0x56: {  	_ =	shalt  }
0x57: {  	_ =	shalt  }
0x58: {  	_ =	shalt  }
0x59: {  	_ =	shalt  }
0x5a: {  	_ =	shalt  }
0x5b: {  	_ =	shalt  }
0x5c: {  	_ =	shalt  }
0x5d: {  	_ =	shalt  }
0x5e: {  	_ =	shalt  }
0x5f: {  	_ =	shalt  }
0x60: {  	_ =	shalt  }
0x61: {  	_ =	shalt  }
0x62: {  	_ =	shalt  }
0x63: {  	_ =	shalt  }
0x64: {  	_ =	shalt  }
0x65: {  	_ =	shalt  }
0x66: {  	_ =	shalt  }
0x67: {  	_ =	shalt  }
0x68: {  	_ =	shalt  }
0x69: {  	_ =	shalt  }
0x6a: {  	_ =	shalt  }
0x6b: {  	_ =	shalt  }
0x6c: {  	_ =	shalt  }
0x6d: {  	_ =	shalt  }
0x6e: {  	_ =	shalt  }
0x6f: {  	_ =	shalt  }
0x70: {  	_ =	shalt  }
0x71: {  	_ =	shalt  }
0x72: {  	_ =	shalt  }
0x73: {  	_ =	shalt  }
0x74: {  	_ =	shalt  }
0x75: {  	_ =	shalt  }
0x76: {  	_ =	shalt  }
0x77: {  	_ =	shalt  }
0x78: {  	_ =	shalt  }
0x79: {  	_ =	shalt  }
0x7a: {  	_ =	shalt  }
0x7b: {  	_ =	shalt  }
0x7c: {  	_ =	shalt  }
0x7d: {  	_ =	shalt  }
0x7e: {  	_ =	shalt  }
0x7f: {  	_ =	shalt  }
0x80: {  	_ =	shalt  }
0x81: {  	_ =	shalt  }
0x82: {  	_ =	shalt  }
0x83: {  	_ =	shalt  }
0x84: {  	_ =	shalt  }
0x85: {  	_ =	shalt  }
0x86: {  	_ =	shalt  }
0x87: {  	_ =	shalt  }
.Lfunc_end0:
.L_simem_size_0:
called_computation_lowered:
.L_overlay_start_0:
0x88: {  	s2 =	sld [smem:$0x3FD9]  }
0x89: {  	s3 =	sld [smem:$0x3FFE];
	_ =	sdelay $0x1  }
0x8a: {  	s1 =	srdreg.scid  }
0x8b: {  	s0 =	sand.u32 $0x1, s1  }
0x8c: {  	s17 =	sshll.u32 s0, $0xA;
	s2 =	sadd.s32 s3, s2  }
0x8d: {  	s2 =	sadd.s32 s2, s17  }
0x8e: {  	[smem:$0x3FC6] =	sst s2  }
0x8f: {  	_ = 	snop  }
0x90: {  	s2 =	sld [smem:$0x3FC9]  }
0x91: {  	s18 =	sld [smem:$0x3FD0];
	(tm) =	ssettm $0x1  }
0x92: {  	s4 =	sld [smem:$0x3FFB];
	_ =	sdelay $0x3  }
0x93: {  	_ =	strace s4  }
0x94: {  	s4 =	sld [smem:$0x3FFC];
	_ =	sdelay $0x3  }
0x95: {  	_ =	strace s4  }
0x96: {  	s4 =	sld [smem:$0x3FFD];
	_ =	sdelay $0x3  }
0x97: {  	_ =	strace s4  }
0x98: {  	_ =	strace $0x8FFFFFFF  }
0x99: {  	s19 =	sld [smem:$0x3FDB];
	_ =	sdelay $0x1  }
0x9a: {  	s5 =	simm.s32 $_scs_section_size  }
0x9b: {  	s6 =	simm.s32 $_size__tile_overlayer_lowered;
	s7 =	simm.s32 $_tile_overlayer_lowered  }
0x9c: {  	s22 =	simm.s32 $0x1BFF;
	s21 =	sshll.u32 s7, $0x1;
	s4 =	sadd.s32 s5, s19  }
0x9d: {  	s8 =	simm.s32 $0x0;
	s20 =	sshll.u32 s6, $0x1;
	s6 =	sadd.s32 s21, s4  }
0x9e: {  	[timem:s8], [sflag:s22] =	dma.local [hbm:s6], s20  }
0x9f: {  	_ =	swait.ge [sflag:s22], s20  }
0xa0: {  	s5 =	ssub.s32 $0x0, s20;
	[sflag:s22] =	ssyncset.done $0x0  }
0xa1: {  	[sflag:s22] =	ssyncadd.s32 s5;
	_ =	sdelay $0x1  }
0xa2: {  	s23 =	simm.s32 $0x1B8B  }
0xa3: {  	_ =	swait.ge [sflag:s23], $0x1  }
0xa4: {  	[sflag:s23] =	ssyncset.done $0x0  }
0xa5: {  	s25 =	simm.s32 $0x1B8E;
	s24 =	sld [smem:$0x3FFE];
	[sflag:s23] =	ssyncadd.s32 $0xFFFFFFFF  }
0xa6: {  	s26 =	simm.s32 $execute0_lowered;
	[smem:$0x3FD2] =	sst s25  }
0xa7: {  	s6 =	sshll.u32 s26, $0x1;
	_ =	strace $0x80000046;
	[dreg:$0x1] =	wrdreg $0xFFFFFFFF  }
0xa8: {  	s28 =	simm.s32 $_size_execute0_lowered;
	s4 =	sadd.s32 s4, s6;
	[dreg:$0x0] =	wrdreg $0x0  }
0xa9: {  	s6 =	sshll.u32 s28, $0x1;
	[dreg:$0x2] =	wrdreg s4  }
0xaa: {  	[dreg:$0x3] =	wrdreg s6  }
0xab: {  	[dreg:$0x4] =	wrdreg $0xC0  }
0xac: {  	_ =	task [dreg:s8], $0x5FFFF  }
0xad: {  	[dreg:$0x1] =	wrdreg $0xFFFFFFFF  }
0xae: {  	[dreg:$0x0] =	wrdreg $0x60  }
0xaf: {  	[dreg:$0x2] =	wrdreg s24  }
0xb0: {  	[dreg:$0x3] =	wrdreg s2  }
0xb1: {  	[dreg:$0x4] =	wrdreg s18  }
0xb2: {  	[dreg:$0x5] =	wrdreg $0x9  }
0xb3: {  	_ =	task.clear_ibuf [dreg:s8], $0x6FFFF;
	_ =	strace $0x90000046  }
0xb4: {  	s29 =	simm.s32 $0x9;
	_ =	strace $0x80000048  }
0xb5: {  	_ =	swait.ge [sflag:s29], $0x1  }
0xb6: {  	[sflag:s29] =	ssyncadd.s32 $0xFFFFFFFF  }
0xb7: {  	_ =	strace $0x90000048  }
0xb8: {  	_ =	sfence  }
0xb9: {  	s30 =	sld [smem:$0x0];
	_ =	sdelay $0x2  }
0xba: {  	s31 =	sshll.u32 s1, $0xD;
	s1 =	sshrl.u32 s1, $0x2  }
0xbb: {  	s3 =	sand.u32 $0x4000, s31;
	s1 =	sadd.s32 s1, s30  }
0xbc: {  	s0 =	sor.u32 s3, s0;
	s1 =	sshll.u32 s1, $0x11  }
0xbd: {  	s0 =	sor.u32 s1, s0  }
0xbe: {  	s0 =	sadd.s32 $0x8F2B, s0  }
0xbf: {  	[sflag:s0] =	ssyncadd.remote.s32 $0x1  }
0xc0: {  	_ =	sfence.sel $0xFFFF  }
0xc1: {  	[dreg:$0x0] =	wrdreg $0xFFFFFFFF;
	(pc) =	sbr.abs _section_cstart, $3  }
0xc2: {  	[dreg:$0x1] =	wrdreg $0xFFFFFFFF  }
0xc3: {  	_ =	task.clear_ibuf [dreg:s8], $0x2FFFF;
	_ =	strace $0x9FFFFFFF  }
0xc4: {  	(tm) =	ssettm $0x7FFFFFFF  }
0xc5: {  	_ =	shalt  }
tec
execute0_lowered:
.L_overlay_start_1:
0x0: {  	(tag) =	ssettag $0x1  }
0x1: {  	s1 =	srdreg.scid  }
0x2: {  	s0 =	stileid.u32;
	s1 =	sand.u32 $0x1, s1  }
0x3: {  	s26 =	rddreg [dreg:$0x0];
	s5 =	sshll.u32 s0, $0xA;
	s6 =	sshll.u32 s1, $0x9  }
0x4: {  	s4 =	rddreg [dreg:$0x1];
	s28 =	sor.u32 s6, s5  }
0x5: {  	s2 =	rddreg [dreg:$0x2];
	s3 =	simm.s32 $0x0;
	s5 =	sshrl.u32 s28, $0x3  }
0x6: {  	[smem:$0x7FF] =	sst s3;
	s4 =	sadd.s32 s4, s5  }
0x7: {  	s8 =	smul.u32 $0x30, s0;
	_ =	strace $0x80000047;
	[dreg:$0x4] =	wrdreg s4  }
0x8: {  	p0 =	seq.s32 s0, $0xF;
	s4 =	simm.s32 $0x580;
	s25 =	rddreg [dreg:$0x4]  }
0x9: {  	[tilespmem:s4], [sflag:$0x3] =	stream.linear.gather [hbm4b:s25+s3], $0x200, $0x38;
	[tilespmem:$0x2780] =	vst v63  }
0xa: {  	s7 =	simm.s32 @p0 $0x4;
	s6 =	simm.s32 @p0 $0x0;
	s5 =	sadd.s32 $0xAD0, s26  }
0xb: {  	v0 =	vlaneseq.u32;
	[tilespmem:s6], [sflag:$0x4] =	stream.linear.gather @p0 [hbm4b:s5+s6], $0xF0, $0x38;
	[tilespmem:$0x2780] =	vst v63  }
0xc: {  	v9 =	vmul.u32 $0x6, v0;
	_ =	swait.ge @p0 [sflag:s7], $0xF0  }
0xd: {  	s9 =	simm.s32 @!p0 $0x0;
	s8 =	sadd.s32 s8, s26;
	[sflag:s7] =	ssyncset.done @p0 $0x0  }
0xe: {  	s10 =	simm.s32 @!p0 $0x4;
	v1 =	vadd.s32 $0x3, v9;
	s8 =	sadd.s32 $0x800, s8;
	[sflag:s7] =	ssyncadd.s32 @p0 $0xFFFFFF10  }
0xf: {  	v2 =	vadd.s32 $0x4, v9;
	[tilespmem:s9], [sflag:$0x4] =	stream.linear.gather @!p0 [hbm4b:s8+s9], $0x180, $0x38;
	[tilespmem:$0x2780] =	vst v63  }
0x10: {  	_ =	swait.ge @!p0 [sflag:s10], $0x180  }
0x11: {  	v3 =	vadd.s32 $0x5, v9;
	[sflag:s10] =	ssyncset.done @!p0 $0x0  }
0x12: {  	[sflag:s10] =	ssyncadd.s32 @!p0 $0xFFFFFE80  }
0x13: {  	[tilespmem:$0x1FE70] =	vst v1;
	v1 =	vld.idx.msk [tilespmem:v1+s3+$0x0], $0xffff  }
0x14: {  	[tilespmem:$0x1FE80] =	vst v2;
	v2 =	vld.idx.msk [tilespmem:v2+s3+$0x0], $0xffff;
	_ =	sdelay $0x1  }
0x15: {  	[tilespmem:$0x1FE90] =	vst v3;
	v3 =	vld.idx.msk [tilespmem:v3+s3+$0x0], $0xffff;
	_ =	sdelay $0x2  }
0x16: {  	v4 =	vmul.f32 v1, v1;
	v5 =	vmul.f32 v2, v2;
	_ =	sdelay $0x1  }
0x17: {  	v4 =	vadd.f32 v5, v4;
	v5 =	vmul.f32 v3, v3;
	_ =	sdelay $0x1  }
0x18: {  	v4 =	vadd.f32 v5, v4;
	_ =	sdelay $0x1  }
0x19: {  	v5 =	vmul.f32 $2.087675590e-09, v4;
	_ =	sdelay $0x1  }
0x1a: {  	v6 =	vmul.f32 $2.505210790e-08, v4;
	v5 =	vsub.f32 $2.755732000e-07, v5;
	_ =	sdelay $0x1  }
0x1b: {  	v7 =	vmul.f32 $2.755732000e-07, v4;
	v6 =	vsub.f32 $2.755731880e-06, v6;
	v5 =	vmul.f32 v5, v4;
	_ =	sdelay $0x1  }
0x1c: {  	v7 =	vsub.f32 $2.480158760e-05, v7;
	v6 =	vmul.f32 v6, v4;
	v5 =	vadd.f32 $-2.480158760e-05, v5;
	_ =	sdelay $0x1  }
0x1d: {  	v7 =	vmul.f32 v7, v4;
	v6 =	vadd.f32 $-1.984127010e-04, v6;
	v5 =	vmul.f32 v5, v4;
	_ =	sdelay $0x1  }
0x1e: {  	v7 =	vadd.f32 $-1.388888920e-03, v7;
	v6 =	vmul.f32 v6, v4;
	v5 =	vadd.f32 $1.388888920e-03, v5;
	_ =	sdelay $0x1  }
0x1f: {  	v7 =	vmul.f32 v7, v4;
	v6 =	vadd.f32 $8.333333770e-03, v6;
	v5 =	vmul.f32 v5, v4;
	_ =	sdelay $0x1  }
0x20: {  	v7 =	vadd.f32 $4.166666790e-02, v7;
	v6 =	vmul.f32 v6, v4;
	v5 =	vadd.f32 $-4.166666790e-02, v5  }
0x21: {  	v11 =	vor.u32 $0x1, v9  }
0x22: {  	v7 =	vmul.f32 v7, v4;
	v6 =	vadd.f32 $-1.666666720e-01, v6;
	v5 =	vmul.f32 v5, v4  }
0x23: {  	v10 =	vmul.u32 $0x10, v0  }
0x24: {  	v7 =	vadd.f32 $-5.000000000e-01, v7;
	v0 =	vmul.f32 v6, v4;
	v8 =	vadd.f32 $5.000000000e-01, v5  }
0x25: {  	v5 =	vadd.s32 $0x2, v9  }
0x26: {  	v4 =	vmul.f32 v7, v4;
	v0 =	vadd.f32 $1.000000000e+00, v0;
	v6 =	vmul.f32 v8, v1  }
0x27: {  	v12 =	vor.u32 $0x1, v10;
	v22 =	vor.u32 $0x2, v10;
	[tilespmem:$0x1FEB0] =	vst v11;
	v19 =	vld.idx.msk [tilespmem:v11+s3+$0x0], $0xffff;
	v11 =	vor.u32 $0x5, v10  }
0x28: {  	v4 =	vadd.f32 $1.000000000e+00, v4;
	v14 =	vmul.f32 v0, v3;
	v7 =	vmul.f32 v6, v1  }
0x29: {  	v23 =	vor.u32 $0x3, v10;
	v16 =	vld.idx.msk [tilespmem:v9+s3+$0x0], $0xffff;
	[tilespmem:$0x1FF00] =	vst v11;
	v18 =	vmul.f32 v0, v2;
	v15 =	vmul.f32 v6, v2  }
0x2a: {  	[tilespmem:$0x1FEA0] =	vst v5;
	v6 =	vmul.f32 v6, v3;
	v21 =	vld.idx.msk [tilespmem:v5+s3+$0x0], $0xffff;
	v5 =	vor.u32 $0x4, v10;
	v7 =	vadd.f32 v7, v4  }
0x2b: {  	s11 =	simm.s32 $0x180;
	v13 =	vmul.f32 v8, v2;
	v17 =	vsub.f32 v15, v14;
	[tilespmem:$0x1FEF0] =	vst v5  }
0x2c: {  	v20 =	vadd.f32 v6, v18;
	[tilespmem:v10+s11+$0x0] =	vst.idx.msk $0xffff, v7  }
0x2d: {  	v24 =	vor.u32 $0x6, v10;
	v0 =	vmul.f32 v0, v1;
	v2 =	vmul.f32 v13, v2;
	[tilespmem:v12+s11+$0x0] =	vst.idx.msk $0xffff, v17  }
0x2e: {  	v53 =	vor.u32 $0x7, v10;
	v54 =	vadd.f32 v15, v14;
	v7 =	vmul.f32 v13, v3;
	[tilespmem:v22+s11+$0x0] =	vst.idx.msk $0xffff, v20  }
0x2f: {  	v55 =	vor.u32 $0x8, v10;
	v1 =	vadd.f32 v2, v4;
	[tilespmem:v23+s11+$0x0] =	vst.idx.msk $0xffff, v16  }
0x30: {  	v56 =	vor.u32 $0x9, v10;
	v2 =	vmul.f32 v8, v3;
	v8 =	vsub.f32 v7, v0;
	[tilespmem:v5+s11+$0x0] =	vst.idx.msk $0xffff, v54  }
0x31: {  	v5 =	vor.u32 $0xA, v10;
	[tilespmem:v11+s11+$0x0] =	vst.idx.msk $0xffff, v1  }
0x32: {  	v2 =	vmul.f32 v2, v3;
	v11 =	vor.u32 $0xB, v10;
	v1 =	vsub.f32 v6, v18;
	[tilespmem:v24+s11+$0x0] =	vst.idx.msk $0xffff, v8  }
0x33: {  	v3 =	vadd.s32 $0x63, v9;
	v0 =	vadd.f32 v7, v0;
	[tilespmem:v53+s11+$0x0] =	vst.idx.msk $0xffff, v19  }
0x34: {  	v2 =	vadd.f32 v2, v4;
	v6 =	vadd.s32 $0x64, v9;
	[tilespmem:v55+s11+$0x0] =	vst.idx.msk $0xffff, v1  }
0x35: {  	[tilespmem:v56+s11+$0x0] =	vst.idx.msk $0xffff, v0  }
0x36: {  	v4 =	vadd.s32 $0x65, v9;
	[tilespmem:v5+s11+$0x0] =	vst.idx.msk $0xffff, v2  }
0x37: {  	[tilespmem:v11+s11+$0x0] =	vst.idx.msk $0xffff, v21  }
0x38: {  	v0 =	vld.idx.msk [tilespmem:v3+s3+$0x0], $0xffff  }
0x39: {  	v1 =	vld.idx.msk [tilespmem:v6+s3+$0x0], $0xffff;
	_ =	sdelay $0x1  }
0x3a: {  	v2 =	vld.idx.msk [tilespmem:v4+s3+$0x0], $0xffff;
	_ =	sdelay $0x1  }
0x3b: {  	[tilespmem:$0x1FF70] =	vst v3  }
0x3c: {  	[tilespmem:$0x1FF90] =	vst v4;
	v3 =	vmul.f32 v0, v0;
	v4 =	vmul.f32 v1, v1;
	_ =	sdelay $0x1  }
0x3d: {  	v3 =	vadd.f32 v4, v3;
	v4 =	vmul.f32 v2, v2;
	_ =	sdelay $0x1  }
0x3e: {  	v3 =	vadd.f32 v4, v3;
	_ =	sdelay $0x1  }
0x3f: {  	v4 =	vmul.f32 $2.087675590e-09, v3;
	_ =	sdelay $0x1  }
0x40: {  	v4 =	vsub.f32 $2.755732000e-07, v4  }
0x41: {  	[tilespmem:$0x1FF80] =	vst v6;
	v6 =	vmul.f32 $2.505210790e-08, v3  }
0x42: {  	v7 =	vmul.f32 $2.755732000e-07, v3;
	v4 =	vmul.f32 v4, v3  }
0x43: {  	v6 =	vsub.f32 $2.755731880e-06, v6  }
0x44: {  	v7 =	vsub.f32 $2.480158760e-05, v7;
	v4 =	vadd.f32 $-2.480158760e-05, v4  }
0x45: {  	v6 =	vmul.f32 v6, v3  }
0x46: {  	v7 =	vmul.f32 v7, v3;
	v4 =	vmul.f32 v4, v3  }
0x47: {  	v6 =	vadd.f32 $-1.984127010e-04, v6  }
0x48: {  	v7 =	vadd.f32 $-1.388888920e-03, v7;
	v4 =	vadd.f32 $1.388888920e-03, v4  }
0x49: {  	v6 =	vmul.f32 v6, v3  }
0x4a: {  	v7 =	vmul.f32 v7, v3;
	v4 =	vmul.f32 v4, v3  }
0x4b: {  	v6 =	vadd.f32 $8.333333770e-03, v6  }
0x4c: {  	v7 =	vadd.f32 $4.166666790e-02, v7;
	v4 =	vadd.f32 $-4.166666790e-02, v4  }
0x4d: {  	v6 =	vmul.f32 v6, v3  }
0x4e: {  	v7 =	vmul.f32 v7, v3;
	v4 =	vmul.f32 v4, v3  }
0x4f: {  	v6 =	vadd.f32 $-1.666666720e-01, v6  }
0x50: {  	v7 =	vadd.f32 $-5.000000000e-01, v7;
	v4 =	vadd.f32 $5.000000000e-01, v4  }
0x51: {  	v57 =	vadd.s32 $0x61, v9;
	[tilespmem:$0x1FF50] =	vst v5;
	v5 =	vadd.s32 $0x60, v9;
	v6 =	vmul.f32 v6, v3  }
0x52: {  	v58 =	vor.u32 $0x100, v10;
	v3 =	vmul.f32 v7, v3;
	v7 =	vmul.f32 v4, v0  }
0x53: {  	v59 =	vor.u32 $0x101, v10;
	[tilespmem:$0x1FF60] =	vst v11;
	v11 =	vadd.s32 $0x62, v9;
	v6 =	vadd.f32 $1.000000000e+00, v6  }
0x54: {  	v60 =	vor.u32 $0x102, v10;
	v3 =	vadd.f32 $1.000000000e+00, v3;
	v8 =	vmul.f32 v7, v0  }
0x55: {  	v61 =	vor.u32 $0x103, v10;
	[tilespmem:$0x1FFA0] =	vst v5;
	v32 =	vmul.f32 v6, v2;
	v33 =	vmul.f32 v7, v1  }
0x56: {  	v34 =	vld.idx.msk [tilespmem:v5+s3+$0x0], $0xffff;
	v36 =	vmul.f32 v6, v1;
	v7 =	vmul.f32 v7, v2;
	v8 =	vadd.f32 v8, v3  }
0x57: {  	[tilespmem:$0x1FFB0] =	vst v11;
	v37 =	vld.idx.msk [tilespmem:v57+s3+$0x0], $0xffff;
	v5 =	vor.u32 $0x104, v10;
	v31 =	vmul.f32 v4, v1;
	v35 =	vsub.f32 v33, v32  }
0x58: {  	v39 =	vld.idx.msk [tilespmem:v11+s3+$0x0], $0xffff;
	v11 =	vor.u32 $0x105, v10;
	v38 =	vadd.f32 v7, v36;
	[tilespmem:v58+s11+$0x0] =	vst.idx.msk $0xffff, v8  }
0x59: {  	v62 =	vor.u32 $0x106, v10;
	v1 =	vmul.f32 v31, v1;
	v0 =	vmul.f32 v6, v0;
	[tilespmem:v59+s11+$0x0] =	vst.idx.msk $0xffff, v35  }
0x5a: {  	v63 =	vor.u32 $0x107, v10;
	v18 =	vadd.f32 v33, v32;
	v8 =	vmul.f32 v31, v2;
	[tilespmem:v60+s11+$0x0] =	vst.idx.msk $0xffff, v38  }
0x5b: {  	v19 =	vor.u32 $0x108, v10;
	v1 =	vadd.f32 v1, v3;
	[tilespmem:v61+s11+$0x0] =	vst.idx.msk $0xffff, v34  }
0x5c: {  	v20 =	vor.u32 $0x109, v10;
	v4 =	vmul.f32 v4, v2;
	v6 =	vsub.f32 v8, v0;
	[tilespmem:v5+s11+$0x0] =	vst.idx.msk $0xffff, v18  }
0x5d: {  	v34 =	vor.u32 $0x10A, v10;
	[tilespmem:v11+s11+$0x0] =	vst.idx.msk $0xffff, v1  }
0x5e: {  	v2 =	vmul.f32 v4, v2;
	v35 =	vor.u32 $0x10B, v10;
	v1 =	vsub.f32 v7, v36;
	[tilespmem:v62+s11+$0x0] =	vst.idx.msk $0xffff, v6  }
0x5f: {  	v0 =	vadd.f32 v8, v0;
	v36 =	vadd.s32 $0xC3, v9;
	[tilespmem:v63+s11+$0x0] =	vst.idx.msk $0xffff, v37  }
0x60: {  	v2 =	vadd.f32 v2, v3;
	v37 =	vadd.s32 $0xC4, v9;
	[tilespmem:v19+s11+$0x0] =	vst.idx.msk $0xffff, v1  }
0x61: {  	[tilespmem:v20+s11+$0x0] =	vst.idx.msk $0xffff, v0  }
0x62: {  	v38 =	vadd.s32 $0xC5, v9;
	[tilespmem:v34+s11+$0x0] =	vst.idx.msk $0xffff, v2  }
0x63: {  	[tilespmem:v35+s11+$0x0] =	vst.idx.msk $0xffff, v39  }
0x64: {  	v0 =	vld.idx.msk [tilespmem:v36+s3+$0x0], $0xffff  }
0x65: {  	v1 =	vld.idx.msk [tilespmem:v37+s3+$0x0], $0xffff;
	_ =	sdelay $0x1  }
0x66: {  	v2 =	vld.idx.msk [tilespmem:v38+s3+$0x0], $0xffff;
	_ =	sdelay $0x2  }
0x67: {  	v3 =	vmul.f32 v0, v0;
	v4 =	vmul.f32 v1, v1;
	_ =	sdelay $0x1  }
0x68: {  	v3 =	vadd.f32 v4, v3;
	v4 =	vmul.f32 v2, v2;
	_ =	sdelay $0x1  }
0x69: {  	v3 =	vadd.f32 v4, v3;
	_ =	sdelay $0x1  }
0x6a: {  	v4 =	vmul.f32 $2.087675590e-09, v3;
	_ =	sdelay $0x1  }
0x6b: {  	v4 =	vsub.f32 $2.755732000e-07, v4  }
0x6c: {  	v6 =	vmul.f32 $2.505210790e-08, v3  }
0x6d: {  	v7 =	vmul.f32 $2.755732000e-07, v3;
	v4 =	vmul.f32 v4, v3  }
0x6e: {  	v6 =	vsub.f32 $2.755731880e-06, v6  }
0x6f: {  	v7 =	vsub.f32 $2.480158760e-05, v7;
	v4 =	vadd.f32 $-2.480158760e-05, v4  }
0x70: {  	v6 =	vmul.f32 v6, v3  }
0x71: {  	v7 =	vmul.f32 v7, v3;
	v4 =	vmul.f32 v4, v3  }
0x72: {  	v6 =	vadd.f32 $-1.984127010e-04, v6  }
0x73: {  	v7 =	vadd.f32 $-1.388888920e-03, v7;
	v4 =	vadd.f32 $1.388888920e-03, v4  }
0x74: {  	v6 =	vmul.f32 v6, v3  }
0x75: {  	v7 =	vmul.f32 v7, v3;
	v4 =	vmul.f32 v4, v3  }
0x76: {  	v6 =	vadd.f32 $8.333333770e-03, v6  }
0x77: {  	v7 =	vadd.f32 $4.166666790e-02, v7;
	v4 =	vadd.f32 $-4.166666790e-02, v4  }
0x78: {  	v6 =	vmul.f32 v6, v3  }
0x79: {  	v7 =	vmul.f32 v7, v3;
	v4 =	vmul.f32 v4, v3  }
0x7a: {  	v6 =	vadd.f32 $-1.666666720e-01, v6  }
0x7b: {  	v7 =	vadd.f32 $-5.000000000e-01, v7;
	v4 =	vadd.f32 $5.000000000e-01, v4  }
0x7c: {  	v40 =	vadd.s32 $0xC2, v9;
	v39 =	vadd.s32 $0xC0, v9;
	v6 =	vmul.f32 v6, v3  }
0x7d: {  	v41 =	vadd.s32 $0xC1, v9;
	v3 =	vmul.f32 v7, v3;
	v7 =	vmul.f32 v4, v0  }
0x7e: {  	v42 =	vor.u32 $0x200, v10;
	v43 =	vor.u32 $0x201, v10;
	[tilespmem:$0x1FF20] =	vst v53;
	v6 =	vadd.f32 $1.000000000e+00, v6  }
0x7f: {  	v44 =	vor.u32 $0x202, v10;
	[tilespmem:$0x1FF30] =	vst v55;
	v3 =	vadd.f32 $1.000000000e+00, v3;
	v8 =	vmul.f32 v7, v0  }
0x80: {  	v45 =	vor.u32 $0x203, v10;
	[tilespmem:$0x1FF40] =	vst v56;
	v48 =	vmul.f32 v6, v2;
	v49 =	vmul.f32 v7, v1  }
0x81: {  	v51 =	vld.idx.msk [tilespmem:v39+s3+$0x0], $0xffff;
	v54 =	vmul.f32 v6, v1;
	v7 =	vmul.f32 v7, v2;
	v8 =	vadd.f32 v8, v3  }
0x82: {  	v46 =	vor.u32 $0x204, v10;
	[tilespmem:$0x1FFC0] =	vst v57;
	v57 =	vld.idx.msk [tilespmem:v40+s3+$0x0], $0xffff;
	v50 =	vmul.f32 v4, v1;
	v52 =	vsub.f32 v49, v48  }
0x83: {  	v47 =	vor.u32 $0x205, v10;
	v55 =	vld.idx.msk [tilespmem:v41+s3+$0x0], $0xffff;
	[tilespmem:v42+s11+$0x0] =	vst.idx.msk $0xffff, v8;
	v8 =	vadd.f32 v7, v54  }
0x84: {  	v1 =	vmul.f32 v50, v1;
	v53 =	vadd.f32 v49, v48;
	v48 =	vor.u32 $0x206, v10;
	[tilespmem:v43+s11+$0x0] =	vst.idx.msk $0xffff, v52  }
0x85: {  	v56 =	vmul.f32 v50, v2;
	v0 =	vmul.f32 v6, v0;
	v49 =	vor.u32 $0x207, v10;
	[tilespmem:v44+s11+$0x0] =	vst.idx.msk $0xffff, v8  }
0x86: {  	v50 =	vor.u32 $0x208, v10;
	v1 =	vadd.f32 v1, v3;
	[tilespmem:v45+s11+$0x0] =	vst.idx.msk $0xffff, v51  }
0x87: {  	v4 =	vmul.f32 v4, v2;
	v6 =	vsub.f32 v56, v0;
	v51 =	vor.u32 $0x209, v10;
	[tilespmem:v46+s11+$0x0] =	vst.idx.msk $0xffff, v53  }
0x88: {  	v52 =	vor.u32 $0x20A, v10;
	[tilespmem:v47+s11+$0x0] =	vst.idx.msk $0xffff, v1  }
0x89: {  	v2 =	vmul.f32 v4, v2;
	v53 =	vor.u32 $0x20B, v10;
	v1 =	vsub.f32 v7, v54;
	[tilespmem:v48+s11+$0x0] =	vst.idx.msk $0xffff, v6  }
0x8a: {  	v0 =	vadd.f32 v56, v0;
	v54 =	vadd.s32 $0x123, v9;
	[tilespmem:v49+s11+$0x0] =	vst.idx.msk $0xffff, v55  }
0x8b: {  	v2 =	vadd.f32 v2, v3;
	v55 =	vadd.s32 $0x124, v9;
	[tilespmem:v50+s11+$0x0] =	vst.idx.msk $0xffff, v1  }
0x8c: {  	[tilespmem:v51+s11+$0x0] =	vst.idx.msk $0xffff, v0  }
0x8d: {  	v56 =	vadd.s32 $0x125, v9;
	[tilespmem:v52+s11+$0x0] =	vst.idx.msk $0xffff, v2  }
0x8e: {  	[tilespmem:v53+s11+$0x0] =	vst.idx.msk $0xffff, v57  }
0x8f: {  	v31 =	vmov v5;
	v5 =	vld.idx.msk [tilespmem:v54+s3+$0x0], $0xffff  }
0x90: {  	v7 =	vld.idx.msk [tilespmem:v55+s3+$0x0], $0xffff;
	_ =	sdelay $0x1  }
0x91: {  	v8 =	vld.idx.msk [tilespmem:v56+s3+$0x0], $0xffff;
	_ =	sdelay $0x2  }
0x92: {  	v1 =	vmul.f32 v5, v5;
	v2 =	vmul.f32 v7, v7;
	_ =	sdelay $0x1  }
0x93: {  	v1 =	vadd.f32 v2, v1;
	v2 =	vmul.f32 v8, v8;
	_ =	sdelay $0x1  }
0x94: {  	v1 =	vadd.f32 v2, v1;
	_ =	sdelay $0x1  }
0x95: {  	v2 =	vmul.f32 $2.087675590e-09, v1;
	_ =	sdelay $0x1  }
0x96: {  	v2 =	vsub.f32 $2.755732000e-07, v2  }
0x97: {  	v4 =	vmul.f32 $2.505210790e-08, v1  }
0x98: {  	v6 =	vmul.f32 $2.755732000e-07, v1;
	v2 =	vmul.f32 v2, v1  }
0x99: {  	v4 =	vsub.f32 $2.755731880e-06, v4  }
0x9a: {  	v6 =	vsub.f32 $2.480158760e-05, v6;
	v2 =	vadd.f32 $-2.480158760e-05, v2  }
0x9b: {  	v4 =	vmul.f32 v4, v1  }
0x9c: {  	v6 =	vmul.f32 v6, v1;
	v2 =	vmul.f32 v2, v1  }
0x9d: {  	v4 =	vadd.f32 $-1.984127010e-04, v4  }
0x9e: {  	v6 =	vadd.f32 $-1.388888920e-03, v6;
	v2 =	vadd.f32 $1.388888920e-03, v2  }
0x9f: {  	v4 =	vmul.f32 v4, v1  }
0xa0: {  	v6 =	vmul.f32 v6, v1;
	v2 =	vmul.f32 v2, v1  }
0xa1: {  	v4 =	vadd.f32 $8.333333770e-03, v4  }
0xa2: {  	v6 =	vadd.f32 $4.166666790e-02, v6;
	v2 =	vadd.f32 $-4.166666790e-02, v2  }
0xa3: {  	v4 =	vmul.f32 v4, v1  }
0xa4: {  	v6 =	vmul.f32 v6, v1;
	v2 =	vmul.f32 v2, v1  }
0xa5: {  	v4 =	vadd.f32 $-1.666666720e-01, v4  }
0xa6: {  	[tilespmem:$0x1FEC0] =	vst v12;
	v29 =	vmov v11;
	v6 =	vadd.f32 $-5.000000000e-01, v6;
	v11 =	vadd.f32 $5.000000000e-01, v2  }
0xa7: {  	[tilespmem:$0x1FFD0] =	vst v58;
	v58 =	vadd.s32 $0x121, v9;
	v57 =	vadd.s32 $0x120, v9;
	v2 =	vmul.f32 v4, v1  }
0xa8: {  	[tilespmem:$0x1FFE0] =	vst v59;
	v59 =	vadd.s32 $0x122, v9;
	v1 =	vmul.f32 v6, v1;
	v4 =	vmul.f32 v11, v5  }
0xa9: {  	v27 =	vmovc v61;
	[tilespmem:$0x1FFF0] =	vst v60;
	v60 =	vor.u32 $0x300, v10;
	v61 =	vor.u32 $0x301, v10;
	v6 =	vadd.f32 $1.000000000e+00, v2  }
0xaa: {  	v25 =	vmovc v9;
	[tilespmem:$0x1FED0] =	vst v22;
	v32 =	vmovc v62;
	v62 =	vor.u32 $0x302, v10;
	v9 =	vadd.f32 $1.000000000e+00, v1;
	v1 =	vmul.f32 v4, v5  }
0xab: {  	v28 =	vmovc v63;
	[tilespmem:$0x1FEE0] =	vst v23;
	v63 =	vor.u32 $0x303, v10;
	v3 =	vmul.f32 v4, v7;
	v0 =	vmul.f32 v6, v8  }
0xac: {  	v16 =	vld.idx.msk [tilespmem:v57+s3+$0x0], $0xffff;
	v14 =	vmul.f32 v4, v8;
	v15 =	vmul.f32 v6, v7;
	v2 =	vadd.f32 v1, v9  }
0xad: {  	[tilespmem:$0x1FF10] =	vst v24;
	v13 =	vld.idx.msk [tilespmem:v58+s3+$0x0], $0xffff;
	v4 =	vmul.f32 v11, v7;
	v1 =	vor.u32 $0x304, v10;
	v21 =	vsub.f32 v3, v0  }
0xae: {  	v12 =	vld.idx.msk [tilespmem:v59+s3+$0x0], $0xffff;
	v22 =	vadd.f32 v14, v15;
	[tilespmem:v60+s11+$0x0] =	vst.idx.msk $0xffff, v2;
	v2 =	vor.u32 $0x305, v10  }
0xaf: {  	v23 =	vadd.f32 v3, v0;
	v7 =	vmul.f32 v4, v7;
	v3 =	vor.u32 $0x306, v10;
	[tilespmem:v61+s11+$0x0] =	vst.idx.msk $0xffff, v21  }
0xb0: {  	v5 =	vmul.f32 v6, v5;
	v17 =	vmul.f32 v4, v8;
	v0 =	vor.u32 $0x307, v10;
	[tilespmem:v62+s11+$0x0] =	vst.idx.msk $0xffff, v22  }
0xb1: {  	v4 =	vor.u32 $0x308, v10;
	v7 =	vadd.f32 v7, v9;
	[tilespmem:v63+s11+$0x0] =	vst.idx.msk $0xffff, v16  }
0xb2: {  	v6 =	vor.u32 $0x309, v10;
	v21 =	vmul.f32 v11, v8;
	v22 =	vsub.f32 v17, v5;
	[tilespmem:v1+s11+$0x0] =	vst.idx.msk $0xffff, v23  }
0xb3: {  	[tilespmem:v2+s11+$0x0] =	vst.idx.msk $0xffff, v7;
	v7 =	vor.u32 $0x30A, v10  }
0xb4: {  	v11 =	vsub.f32 v14, v15;
	v23 =	vmul.f32 v21, v8;
	v8 =	vor.u32 $0x30B, v10;
	[tilespmem:v3+s11+$0x0] =	vst.idx.msk $0xffff, v22  }
0xb5: {  	v5 =	vadd.f32 v17, v5;
	[tilespmem:v0+s11+$0x0] =	vst.idx.msk $0xffff, v13  }
0xb6: {  	v9 =	vadd.f32 v23, v9;
	[tilespmem:v4+s11+$0x0] =	vst.idx.msk $0xffff, v11  }
0xb7: {  	[tilespmem:v6+s11+$0x0] =	vst.idx.msk $0xffff, v5  }
0xb8: {  	[tilespmem:v7+s11+$0x0] =	vst.idx.msk $0xffff, v9  }
0xb9: {  	s12 =	sadd.s32 $0x780, s2;
	s13 =	simm.s32 @p0 $0x180;
	[tilespmem:v8+s11+$0x0] =	vst.idx.msk $0xffff, v12  }
0xba: {  	[hbm4b:s12+s6] =	stream.linear.scatter @p0 [tilespmem:s13], [sflag:$0x4], $0x280, $0x38;
	[tilespmem:$0x2780] =	vst v63  }
0xbb: {  	_ =	swait.ge @p0 [sflag:s7], $0x280  }
0xbc: {  	s14 =	sshll.u32 s0, $0x7;
	[sflag:s7] =	ssyncset.done @p0 $0x0  }
0xbd: {  	s14 =	sadd.s32 s2, s14;
	s15 =	simm.s32 @!p0 $0x180;
	[sflag:s7] =	ssyncadd.s32 @p0 $0xFFFFFD80  }
0xbe: {  	[hbm4b:s14+s9] =	stream.linear.scatter @!p0 [tilespmem:s15], [sflag:$0x4], $0x400, $0x38;
	[tilespmem:$0x2780] =	vst v63  }
0xbf: {  	_ =	swait.ge @!p0 [sflag:s10], $0x400  }
0xc0: {  	[sflag:s10] =	ssyncset.done @!p0 $0x0  }
0xc1: {  	[sflag:s10] =	ssyncadd.s32 @!p0 $0xFFFFFC00  }
0xc2: {  	s16 =	simm.s32 $0x3;
	[bflag:$0x0] =	sbarrier.arrive $0xFFFF  }
0xc3: {  	_ =	swait.ge [sflag:s16], $0x200  }
0xc4: {  	[sflag:s16] =	ssyncset.done $0x0  }
0xc5: {  	s17 =	simm.s32 $0x80;
	s18 =	simm.s32 $0x780;
	[sflag:s16] =	ssyncadd.s32 $0xFFFFFE00  }
0xc6: {  	[tilespmem:s18], [sflag:$0x1] =	stream.indirect.gather [hbm4b:s2+s17], $0x10, s4, s17, $0xb8;
	[tilespmem:$0x2780] =	vst v63  }
0xc7: {  	s19 =	simm.s32 $0x600;
	s20 =	simm.s32 $0xF80  }
0xc8: {  	[tilespmem:s20], [sflag:$0x1] =	stream.indirect.gather [hbm4b:s2+s17], $0x10, s19, s17, $0xb8;
	[tilespmem:$0x2780] =	vst v63  }
0xc9: {  	s21 =	simm.s32 $0x680;
	s22 =	simm.s32 $0x1780  }
0xca: {  	[tilespmem:s22], [sflag:$0x1] =	stream.indirect.gather [hbm4b:s2+s17], $0x10, s21, s17, $0xb8;
	[tilespmem:$0x2780] =	vst v63  }
0xcb: {  	s23 =	simm.s32 $0x700;
	s24 =	simm.s32 $0x1F80;
	s25 =	simm.s32 $0x1  }
0xcc: {  	[tilespmem:s24], [sflag:$0x1] =	stream.indirect.gather [hbm4b:s2+s17], $0x10, s23, s17, $0xb8;
	[tilespmem:$0x2780] =	vst v63  }
0xcd: {  	s28 =	sshll.u32 s28, $0x1;
	_ =	swait.ge [sflag:s25], $0x800  }
0xce: {  	s30 =	sadd.s32 s28, s26;
	[sflag:s25] =	ssyncset.done $0x0  }
0xcf: {  	s26 =	sadd.s32 $0xC00, s30;
	[sflag:s25] =	ssyncadd.s32 $0xFFFFF800  }
0xd0: {  	[hbm4b:s26+s3] =	stream.linear.scatter [tilespmem:s18], [sflag:$0x2], $0x800, $0x38;
	[tilespmem:$0x2780] =	vst v63  }
0xd1: {  	_ =	swait.ge [sflag:s25], $0x800  }
0xd2: {  	[sflag:s25] =	ssyncset.done $0x0  }
0xd3: {  	s28 =	sadd.s32 $0xD00, s30;
	[sflag:s25] =	ssyncadd.s32 $0xFFFFF800  }
0xd4: {  	[hbm4b:s28+s3] =	stream.linear.scatter [tilespmem:s20], [sflag:$0x2], $0x800, $0x38;
	[tilespmem:$0x2780] =	vst v63  }
0xd5: {  	s1 =	ssub.s32 $0x2, s1;
	_ =	swait.ge [sflag:s25], $0x800  }
0xd6: {  	s0 =	sshrl.u32 s1, $0x1;
	[sflag:s25] =	ssyncset.done $0x0  }
0xd7: {  	s0 =	ssub.s32 s1, s0;
	s29 =	sadd.s32 $0xE00, s30;
	[sflag:s25] =	ssyncadd.s32 $0xFFFFF800  }
0xd8: {  	[hbm4b:s29+s3] =	stream.linear.scatter [tilespmem:s22], [sflag:$0x2], $0x800, $0x38;
	[tilespmem:$0x2780] =	vst v63  }
0xd9: {  	s0 =	smax.u32 s0, $0x1;
	_ =	swait.ge [sflag:s25], $0x800  }
0xda: {  	s31 =	sadd.s32 $0xF00, s30;
	s1 =	sadd.s32 $0xFFFFFFFF, s0;
	[sflag:s25] =	ssyncset.done $0x0  }
0xdb: {  	s30 =	simm.s32 $0x2;
	p1 =	sne.s32 s1, $0x0;
	[sflag:s25] =	ssyncadd.s32 $0xFFFFF800  }
0xdc: {  	[hbm4b:s31+s3] =	stream.linear.scatter [tilespmem:s24], [sflag:$0x2], $0x800, $0x38;
	[tilespmem:$0x2780] =	vst v63  }
.Ltmp0:
0xdd: {  	_ =	swait.ge [sflag:s30], $0x800;
	(pc) =	sbr.rel @!p1 .LBB2_3-.Ltmp0, $4  }
0xde: {  	[sflag:s30] =	ssyncset.done $0x0  }
0xdf: {  	[sflag:s30] =	ssyncadd.s32 $0xFFFFF800  }
0xe0: {  	_ =	swait.ge [sflag:s30], $0x800  }
0xe1: {  	v30 =	vmov v20;
	v33 =	vmov v19;
	[sflag:s30] =	ssyncset.done $0x0  }
0xe2: {  	v26 =	vmov v10  }
.LBB2_2:
0xe3: {  	[sflag:s30] =	ssyncadd.s32 $0xFFFFF800  }
0xe4: {  	_ =	swait.ge [sflag:s30], $0x800  }
0xe5: {  	[sflag:s30] =	ssyncset.done $0x0  }
0xe6: {  	[sflag:s30] =	ssyncadd.s32 $0xFFFFF800  }
0xe7: {  	_ =	swait.ge [sflag:s30], $0x800  }
0xe8: {  	[sflag:s30] =	ssyncset.done $0x0  }
0xe9: {  	s0 =	rddreg [dreg:$0x4];
	[sflag:s30] =	ssyncadd.s32 $0xFFFFF800  }
0xea: {  	[tilespmem:s4], [sflag:$0x3] =	stream.linear.gather [hbm4b:s0+s3], $0x200, $0x38;
	[tilespmem:$0x2780] =	vst v63  }
0xeb: {  	_ = 	snop  }
0xec: {  	[tilespmem:s6], [sflag:$0x4] =	stream.linear.gather @p0 [hbm4b:s5+s6], $0xF0, $0x38;
	[tilespmem:$0x2780] =	vst v63  }
0xed: {  	_ =	swait.ge @p0 [sflag:s7], $0xF0  }
0xee: {  	[sflag:s7] =	ssyncset.done @p0 $0x0  }
0xef: {  	[sflag:s7] =	ssyncadd.s32 @p0 $0xFFFFFF10  }
0xf0: {  	[tilespmem:s9], [sflag:$0x4] =	stream.linear.gather @!p0 [hbm4b:s8+s9], $0x180, $0x38;
	[tilespmem:$0x2780] =	vst v63  }
0xf1: {  	_ =	swait.ge @!p0 [sflag:s10], $0x180  }
0xf2: {  	v5 =	vld [tilespmem:$0x1FE70];
	_ =	sdelay $0x5  }
0xf3: {  	[sflag:s10] =	ssyncset.done @!p0 $0x0  }
0xf4: {  	[sflag:s10] =	ssyncadd.s32 @!p0 $0xFFFFFE80  }
0xf5: {  	v9 =	vld.idx.msk [tilespmem:v5+s3+$0x0], $0xffff  }
0xf6: {  	v5 =	vld [tilespmem:$0x1FE80];
	_ =	sdelay $0x7  }
0xf7: {  	v10 =	vld.idx.msk [tilespmem:v5+s3+$0x0], $0xffff  }
0xf8: {  	v5 =	vld [tilespmem:$0x1FE90];
	_ =	sdelay $0x7  }
0xf9: {  	v11 =	vld.idx.msk [tilespmem:v5+s3+$0x0], $0xffff;
	_ =	sdelay $0x2  }
0xfa: {  	v12 =	vmul.f32 v9, v9;
	v13 =	vmul.f32 v10, v10;
	_ =	sdelay $0x1  }
0xfb: {  	v12 =	vadd.f32 v13, v12;
	v17 =	vmul.f32 v11, v11;
	_ =	sdelay $0x1  }
0xfc: {  	v12 =	vadd.f32 v17, v12;
	_ =	sdelay $0x1  }
0xfd: {  	v14 =	vmul.f32 $2.087675590e-09, v12;
	_ =	sdelay $0x1  }
0xfe: {  	v13 =	vmul.f32 $2.505210790e-08, v12;
	v14 =	vsub.f32 $2.755732000e-07, v14;
	_ =	sdelay $0x1  }
0xff: {  	v13 =	vsub.f32 $2.755731880e-06, v13;
	v14 =	vmul.f32 v14, v12  }
0x100: {  	v15 =	vmul.f32 $2.755732000e-07, v12  }
0x101: {  	v13 =	vmul.f32 v13, v12;
	v14 =	vadd.f32 $-2.480158760e-05, v14  }
0x102: {  	v15 =	vsub.f32 $2.480158760e-05, v15  }
0x103: {  	v13 =	vadd.f32 $-1.984127010e-04, v13;
	v14 =	vmul.f32 v14, v12  }
0x104: {  	v15 =	vmul.f32 v15, v12  }
0x105: {  	v13 =	vmul.f32 v13, v12;
	v14 =	vadd.f32 $1.388888920e-03, v14  }
0x106: {  	v15 =	vadd.f32 $-1.388888920e-03, v15  }
0x107: {  	v13 =	vadd.f32 $8.333333770e-03, v13;
	v14 =	vmul.f32 v14, v12  }
0x108: {  	v15 =	vmul.f32 v15, v12  }
0x109: {  	v13 =	vmul.f32 v13, v12;
	v14 =	vadd.f32 $-4.166666790e-02, v14  }
0x10a: {  	v15 =	vadd.f32 $4.166666790e-02, v15  }
0x10b: {  	v13 =	vadd.f32 $-1.666666720e-01, v13;
	v14 =	vmul.f32 v14, v12  }
0x10c: {  	v15 =	vmul.f32 v15, v12  }
0x10d: {  	v13 =	vmul.f32 v13, v12;
	v14 =	vadd.f32 $5.000000000e-01, v14  }
0x10e: {  	v15 =	vadd.f32 $-5.000000000e-01, v15  }
0x10f: {  	v13 =	vadd.f32 $1.000000000e+00, v13;
	v16 =	vmul.f32 v14, v9  }
0x110: {  	v12 =	vmul.f32 v15, v12  }
0x111: {  	v21 =	vld [tilespmem:$0x1FEA0];
	v15 =	vmul.f32 v13, v11;
	v18 =	vmul.f32 v16, v10  }
0x112: {  	v23 =	vld [tilespmem:$0x1FEB0];
	v17 =	vmul.f32 v13, v10;
	v19 =	vmul.f32 v16, v9  }
0x113: {  	v9 =	vmul.f32 v13, v9;
	v22 =	vadd.f32 v18, v15;
	v13 =	vsub.f32 v18, v15;
	v18 =	vld [tilespmem:$0x1FEC0];
	_ =	sdelay $0x2  }
0x114: {  	v12 =	vadd.f32 $1.000000000e+00, v12;
	_ =	sdelay $0x1  }
0x115: {  	v20 =	vld.idx.msk [tilespmem:v25+s3+$0x0], $0xffff;
	v19 =	vadd.f32 v19, v12  }
0x116: {  	v21 =	vld.idx.msk [tilespmem:v21+s3+$0x0], $0xffff;
	v5 =	vmul.f32 v14, v10  }
0x117: {  	v23 =	vld.idx.msk [tilespmem:v23+s3+$0x0], $0xffff;
	v16 =	vmul.f32 v16, v11;
	[tilespmem:v26+s11+$0x0] =	vst.idx.msk $0xffff, v19  }
0x118: {  	v10 =	vmul.f32 v5, v10;
	v5 =	vmul.f32 v5, v11;
	[tilespmem:v18+s11+$0x0] =	vst.idx.msk $0xffff, v13;
	v18 =	vld [tilespmem:$0x1FED0]  }
0x119: {  	v15 =	vadd.f32 v16, v17;
	v16 =	vsub.f32 v16, v17;
	v19 =	vld [tilespmem:$0x1FEE0]  }
0x11a: {  	v17 =	vadd.f32 v5, v9;
	v5 =	vsub.f32 v5, v9;
	v9 =	vld [tilespmem:$0x1FEF0];
	_ =	sdelay $0x3  }
0x11b: {  	v14 =	vmul.f32 v14, v11;
	_ =	sdelay $0x1  }
0x11c: {  	v11 =	vmul.f32 v14, v11;
	[tilespmem:v18+s11+$0x0] =	vst.idx.msk $0xffff, v15  }
0x11d: {  	[tilespmem:v19+s11+$0x0] =	vst.idx.msk $0xffff, v20  }
0x11e: {  	[tilespmem:v9+s11+$0x0] =	vst.idx.msk $0xffff, v22;
	v9 =	vadd.f32 v11, v12;
	v11 =	vld [tilespmem:$0x1FF00];
	_ =	sdelay $0x5  }
0x11f: {  	v10 =	vadd.f32 v10, v12;
	_ =	sdelay $0x1  }
0x120: {  	[tilespmem:v11+s11+$0x0] =	vst.idx.msk $0xffff, v10;
	v10 =	vld [tilespmem:$0x1FF10];
	_ =	sdelay $0x7  }
0x121: {  	[tilespmem:v10+s11+$0x0] =	vst.idx.msk $0xffff, v5;
	v5 =	vld [tilespmem:$0x1FF20];
	_ =	sdelay $0x7  }
0x122: {  	[tilespmem:v5+s11+$0x0] =	vst.idx.msk $0xffff, v23;
	v5 =	vld [tilespmem:$0x1FF30];
	_ =	sdelay $0x7  }
0x123: {  	[tilespmem:v5+s11+$0x0] =	vst.idx.msk $0xffff, v16;
	v5 =	vld [tilespmem:$0x1FF40];
	_ =	sdelay $0x7  }
0x124: {  	[tilespmem:v5+s11+$0x0] =	vst.idx.msk $0xffff, v17;
	v5 =	vld [tilespmem:$0x1FF50];
	_ =	sdelay $0x7  }
0x125: {  	[tilespmem:v5+s11+$0x0] =	vst.idx.msk $0xffff, v9;
	v5 =	vld [tilespmem:$0x1FF60];
	_ =	sdelay $0x6  }
0x126: {  	v9 =	vld [tilespmem:$0x1FF80]  }
0x127: {  	[tilespmem:v5+s11+$0x0] =	vst.idx.msk $0xffff, v21;
	v5 =	vld [tilespmem:$0x1FF70];
	_ =	sdelay $0x1  }
0x128: {  	v10 =	vld [tilespmem:$0x1FF90];
	_ =	sdelay $0x4  }
0x129: {  	v9 =	vld.idx.msk [tilespmem:v9+s3+$0x0], $0xffff  }
0x12a: {  	v5 =	vld.idx.msk [tilespmem:v5+s3+$0x0], $0xffff;
	_ =	sdelay $0x1  }
0x12b: {  	v10 =	vld.idx.msk [tilespmem:v10+s3+$0x0], $0xffff;
	_ =	sdelay $0x2  }
0x12c: {  	v22 =	vmul.f32 v9, v9;
	v11 =	vmul.f32 v5, v5;
	_ =	sdelay $0x1  }
0x12d: {  	v23 =	vmul.f32 v10, v10;
	v11 =	vadd.f32 v22, v11;
	_ =	sdelay $0x1  }
0x12e: {  	v11 =	vadd.f32 v23, v11;
	_ =	sdelay $0x1  }
0x12f: {  	v16 =	vmul.f32 $2.087675590e-09, v11;
	_ =	sdelay $0x1  }
0x130: {  	v12 =	vmul.f32 $2.505210790e-08, v11;
	v13 =	vsub.f32 $2.755732000e-07, v16;
	_ =	sdelay $0x1  }
0x131: {  	v12 =	vsub.f32 $2.755731880e-06, v12;
	v13 =	vmul.f32 v13, v11  }
0x132: {  	v17 =	vmul.f32 $2.755732000e-07, v11  }
0x133: {  	v12 =	vmul.f32 v12, v11;
	v13 =	vadd.f32 $-2.480158760e-05, v13  }
0x134: {  	v14 =	vsub.f32 $2.480158760e-05, v17  }
0x135: {  	v12 =	vadd.f32 $-1.984127010e-04, v12;
	v13 =	vmul.f32 v13, v11  }
0x136: {  	v14 =	vmul.f32 v14, v11  }
0x137: {  	v12 =	vmul.f32 v12, v11;
	v13 =	vadd.f32 $1.388888920e-03, v13  }
0x138: {  	v14 =	vadd.f32 $-1.388888920e-03, v14  }
0x139: {  	v12 =	vadd.f32 $8.333333770e-03, v12;
	v13 =	vmul.f32 v13, v11  }
0x13a: {  	v14 =	vmul.f32 v14, v11  }
0x13b: {  	v12 =	vmul.f32 v12, v11;
	v13 =	vadd.f32 $-4.166666790e-02, v13  }
0x13c: {  	v14 =	vadd.f32 $4.166666790e-02, v14  }
0x13d: {  	v12 =	vadd.f32 $-1.666666720e-01, v12;
	v13 =	vmul.f32 v13, v11  }
0x13e: {  	v14 =	vmul.f32 v14, v11  }
0x13f: {  	v12 =	vmul.f32 v12, v11;
	v13 =	vadd.f32 $5.000000000e-01, v13  }
0x140: {  	v14 =	vadd.f32 $-5.000000000e-01, v14  }
0x141: {  	v12 =	vadd.f32 $1.000000000e+00, v12;
	v15 =	vmul.f32 v13, v5  }
0x142: {  	v20 =	vld [tilespmem:$0x1FFA0];
	v11 =	vmul.f32 v14, v11  }
0x143: {  	v21 =	vld [tilespmem:$0x1FFB0];
	v16 =	vmul.f32 v12, v10;
	v18 =	vmul.f32 v15, v9  }
0x144: {  	v23 =	vld [tilespmem:$0x1FFC0];
	v14 =	vmul.f32 v12, v9;
	v19 =	vmul.f32 v15, v5  }
0x145: {  	v5 =	vmul.f32 v12, v5;
	v22 =	vadd.f32 v18, v16;
	v12 =	vsub.f32 v18, v16;
	v18 =	vld [tilespmem:$0x1FFD0];
	_ =	sdelay $0x3  }
0x146: {  	v11 =	vadd.f32 $1.000000000e+00, v11  }
0x147: {  	v20 =	vld.idx.msk [tilespmem:v20+s3+$0x0], $0xffff  }
0x148: {  	v21 =	vld.idx.msk [tilespmem:v21+s3+$0x0], $0xffff;
	v19 =	vadd.f32 v19, v11  }
0x149: {  	v23 =	vld.idx.msk [tilespmem:v23+s3+$0x0], $0xffff  }
0x14a: {  	[tilespmem:v18+s11+$0x0] =	vst.idx.msk $0xffff, v19;
	v18 =	vld [tilespmem:$0x1FFE0]  }
0x14b: {  	v19 =	vld [tilespmem:$0x1FFF0];
	_ =	sdelay $0x3  }
0x14c: {  	v15 =	vmul.f32 v15, v10  }
0x14d: {  	v17 =	vmul.f32 v13, v9  }
0x14e: {  	v16 =	vadd.f32 v15, v14  }
0x14f: {  	v9 =	vmul.f32 v17, v9;
	[tilespmem:v18+s11+$0x0] =	vst.idx.msk $0xffff, v12  }
0x150: {  	v13 =	vmul.f32 v13, v10;
	v17 =	vmul.f32 v17, v10;
	[tilespmem:v19+s11+$0x0] =	vst.idx.msk $0xffff, v16  }
0x151: {  	v9 =	vadd.f32 v9, v11;
	v14 =	vsub.f32 v15, v14;
	[tilespmem:v27+s11+$0x0] =	vst.idx.msk $0xffff, v20  }
0x152: {  	v15 =	vadd.f32 v17, v5;
	v5 =	vsub.f32 v17, v5;
	[tilespmem:v31+s11+$0x0] =	vst.idx.msk $0xffff, v22  }
0x153: {  	[tilespmem:v29+s11+$0x0] =	vst.idx.msk $0xffff, v9  }
0x154: {  	v10 =	vmul.f32 v13, v10;
	[tilespmem:v32+s11+$0x0] =	vst.idx.msk $0xffff, v5  }
0x155: {  	[tilespmem:v28+s11+$0x0] =	vst.idx.msk $0xffff, v23  }
0x156: {  	v10 =	vadd.f32 v10, v11;
	[tilespmem:v33+s11+$0x0] =	vst.idx.msk $0xffff, v14  }
0x157: {  	[tilespmem:v30+s11+$0x0] =	vst.idx.msk $0xffff, v15  }
0x158: {  	[tilespmem:v34+s11+$0x0] =	vst.idx.msk $0xffff, v10  }
0x159: {  	[tilespmem:v35+s11+$0x0] =	vst.idx.msk $0xffff, v21  }
0x15a: {  	v5 =	vld.idx.msk [tilespmem:v36+s3+$0x0], $0xffff  }
0x15b: {  	v9 =	vld.idx.msk [tilespmem:v37+s3+$0x0], $0xffff;
	_ =	sdelay $0x1  }
0x15c: {  	v10 =	vld.idx.msk [tilespmem:v38+s3+$0x0], $0xffff;
	_ =	sdelay $0x2  }
0x15d: {  	v11 =	vmul.f32 v5, v5;
	v23 =	vmul.f32 v9, v9;
	_ =	sdelay $0x1  }
0x15e: {  	v16 =	vmul.f32 v10, v10;
	v11 =	vadd.f32 v23, v11;
	_ =	sdelay $0x1  }
0x15f: {  	v11 =	vadd.f32 v16, v11;
	_ =	sdelay $0x1  }
0x160: {  	v17 =	vmul.f32 $2.087675590e-09, v11;
	_ =	sdelay $0x1  }
0x161: {  	v13 =	vsub.f32 $2.755732000e-07, v17  }
0x162: {  	v12 =	vmul.f32 $2.505210790e-08, v11  }
0x163: {  	v18 =	vmul.f32 $2.755732000e-07, v11;
	v13 =	vmul.f32 v13, v11  }
0x164: {  	v12 =	vsub.f32 $2.755731880e-06, v12  }
0x165: {  	v14 =	vsub.f32 $2.480158760e-05, v18;
	v13 =	vadd.f32 $-2.480158760e-05, v13  }
0x166: {  	v12 =	vmul.f32 v12, v11  }
0x167: {  	v14 =	vmul.f32 v14, v11;
	v13 =	vmul.f32 v13, v11  }
0x168: {  	v12 =	vadd.f32 $-1.984127010e-04, v12  }
0x169: {  	v14 =	vadd.f32 $-1.388888920e-03, v14;
	v13 =	vadd.f32 $1.388888920e-03, v13  }
0x16a: {  	v12 =	vmul.f32 v12, v11  }
0x16b: {  	v14 =	vmul.f32 v14, v11;
	v13 =	vmul.f32 v13, v11  }
0x16c: {  	v12 =	vadd.f32 $8.333333770e-03, v12  }
0x16d: {  	v14 =	vadd.f32 $4.166666790e-02, v14;
	v13 =	vadd.f32 $-4.166666790e-02, v13  }
0x16e: {  	v12 =	vmul.f32 v12, v11  }
0x16f: {  	v14 =	vmul.f32 v14, v11;
	v13 =	vmul.f32 v13, v11  }
0x170: {  	v12 =	vadd.f32 $-1.666666720e-01, v12  }
0x171: {  	v14 =	vadd.f32 $-5.000000000e-01, v14;
	v13 =	vadd.f32 $5.000000000e-01, v13  }
0x172: {  	v12 =	vmul.f32 v12, v11  }
0x173: {  	v11 =	vmul.f32 v14, v11;
	v15 =	vmul.f32 v13, v5  }
0x174: {  	v12 =	vadd.f32 $1.000000000e+00, v12  }
0x175: {  	v11 =	vadd.f32 $1.000000000e+00, v11;
	v19 =	vmul.f32 v15, v5  }
0x176: {  	v14 =	vmul.f32 v12, v10;
	v18 =	vmul.f32 v15, v9  }
0x177: {  	v20 =	vld.idx.msk [tilespmem:v39+s3+$0x0], $0xffff;
	v16 =	vmul.f32 v12, v9;
	v15 =	vmul.f32 v15, v10;
	v19 =	vadd.f32 v19, v11  }
0x178: {  	v21 =	vld.idx.msk [tilespmem:v40+s3+$0x0], $0xffff;
	v17 =	vmul.f32 v13, v9;
	v22 =	vadd.f32 v18, v14;
	v14 =	vsub.f32 v18, v14  }
0x179: {  	v23 =	vld.idx.msk [tilespmem:v41+s3+$0x0], $0xffff;
	v13 =	vmul.f32 v13, v10;
	v18 =	vadd.f32 v15, v16;
	[tilespmem:v42+s11+$0x0] =	vst.idx.msk $0xffff, v19  }
0x17a: {  	v9 =	vmul.f32 v17, v9;
	v17 =	vmul.f32 v17, v10;
	[tilespmem:v43+s11+$0x0] =	vst.idx.msk $0xffff, v14  }
0x17b: {  	v10 =	vmul.f32 v13, v10;
	v5 =	vmul.f32 v12, v5;
	[tilespmem:v44+s11+$0x0] =	vst.idx.msk $0xffff, v18  }
0x17c: {  	v9 =	vadd.f32 v9, v11;
	[tilespmem:v45+s11+$0x0] =	vst.idx.msk $0xffff, v20  }
0x17d: {  	v10 =	vadd.f32 v10, v11;
	v11 =	vsub.f32 v17, v5;
	[tilespmem:v46+s11+$0x0] =	vst.idx.msk $0xffff, v22  }
0x17e: {  	[tilespmem:v47+s11+$0x0] =	vst.idx.msk $0xffff, v9  }
0x17f: {  	v15 =	vsub.f32 v15, v16;
	[tilespmem:v48+s11+$0x0] =	vst.idx.msk $0xffff, v11  }
0x180: {  	v5 =	vadd.f32 v17, v5;
	[tilespmem:v49+s11+$0x0] =	vst.idx.msk $0xffff, v23  }
0x181: {  	[tilespmem:v50+s11+$0x0] =	vst.idx.msk $0xffff, v15  }
0x182: {  	[tilespmem:v51+s11+$0x0] =	vst.idx.msk $0xffff, v5  }
0x183: {  	[tilespmem:v52+s11+$0x0] =	vst.idx.msk $0xffff, v10  }
0x184: {  	[tilespmem:v53+s11+$0x0] =	vst.idx.msk $0xffff, v21  }
0x185: {  	v5 =	vld.idx.msk [tilespmem:v54+s3+$0x0], $0xffff  }
0x186: {  	v9 =	vld.idx.msk [tilespmem:v55+s3+$0x0], $0xffff;
	_ =	sdelay $0x1  }
0x187: {  	v10 =	vld.idx.msk [tilespmem:v56+s3+$0x0], $0xffff;
	_ =	sdelay $0x2  }
0x188: {  	v19 =	vmul.f32 v5, v5;
	v20 =	vmul.f32 v9, v9;
	_ =	sdelay $0x1  }
0x189: {  	v21 =	vmul.f32 v10, v10;
	v14 =	vadd.f32 v20, v19;
	_ =	sdelay $0x1  }
0x18a: {  	v14 =	vadd.f32 v21, v14;
	_ =	sdelay $0x1  }
0x18b: {  	v22 =	vmul.f32 $2.087675590e-09, v14;
	_ =	sdelay $0x1  }
0x18c: {  	v16 =	vsub.f32 $2.755732000e-07, v22  }
0x18d: {  	v15 =	vmul.f32 $2.505210790e-08, v14  }
0x18e: {  	v23 =	vmul.f32 $2.755732000e-07, v14;
	v16 =	vmul.f32 v16, v14  }
0x18f: {  	v15 =	vsub.f32 $2.755731880e-06, v15  }
0x190: {  	v17 =	vsub.f32 $2.480158760e-05, v23;
	v16 =	vadd.f32 $-2.480158760e-05, v16  }
0x191: {  	v15 =	vmul.f32 v15, v14  }
0x192: {  	v17 =	vmul.f32 v17, v14;
	v16 =	vmul.f32 v16, v14  }
0x193: {  	v15 =	vadd.f32 $-1.984127010e-04, v15  }
0x194: {  	v17 =	vadd.f32 $-1.388888920e-03, v17;
	v16 =	vadd.f32 $1.388888920e-03, v16  }
0x195: {  	v15 =	vmul.f32 v15, v14  }
0x196: {  	v17 =	vmul.f32 v17, v14;
	v16 =	vmul.f32 v16, v14  }
0x197: {  	v15 =	vadd.f32 $8.333333770e-03, v15  }
0x198: {  	v17 =	vadd.f32 $4.166666790e-02, v17;
	v16 =	vadd.f32 $-4.166666790e-02, v16  }
0x199: {  	v15 =	vmul.f32 v15, v14  }
0x19a: {  	v17 =	vmul.f32 v17, v14;
	v16 =	vmul.f32 v16, v14  }
0x19b: {  	v15 =	vadd.f32 $-1.666666720e-01, v15  }
0x19c: {  	v17 =	vadd.f32 $-5.000000000e-01, v17;
	v16 =	vadd.f32 $5.000000000e-01, v16  }
0x19d: {  	v15 =	vmul.f32 v15, v14  }
0x19e: {  	v14 =	vmul.f32 v17, v14;
	v18 =	vmul.f32 v16, v5  }
0x19f: {  	v15 =	vadd.f32 $1.000000000e+00, v15  }
0x1a0: {  	v14 =	vadd.f32 $1.000000000e+00, v14;
	v22 =	vmul.f32 v18, v5  }
0x1a1: {  	v17 =	vmul.f32 v15, v10;
	v21 =	vmul.f32 v18, v9  }
0x1a2: {  	v11 =	vld.idx.msk [tilespmem:v57+s3+$0x0], $0xffff;
	v19 =	vmul.f32 v15, v9;
	v18 =	vmul.f32 v18, v10;
	v22 =	vadd.f32 v22, v14  }
0x1a3: {  	v12 =	vld.idx.msk [tilespmem:v58+s3+$0x0], $0xffff;
	v20 =	vmul.f32 v16, v9;
	v23 =	vsub.f32 v21, v17  }
0x1a4: {  	v13 =	vld.idx.msk [tilespmem:v59+s3+$0x0], $0xffff;
	v24 =	vadd.f32 v18, v19;
	[tilespmem:v60+s11+$0x0] =	vst.idx.msk $0xffff, v22  }
0x1a5: {  	v9 =	vmul.f32 v20, v9;
	v20 =	vmul.f32 v20, v10;
	[tilespmem:v61+s11+$0x0] =	vst.idx.msk $0xffff, v23  }
0x1a6: {  	v5 =	vmul.f32 v15, v5;
	v17 =	vadd.f32 v21, v17;
	[tilespmem:v62+s11+$0x0] =	vst.idx.msk $0xffff, v24  }
0x1a7: {  	v9 =	vadd.f32 v9, v14;
	[tilespmem:v63+s11+$0x0] =	vst.idx.msk $0xffff, v11  }
0x1a8: {  	v16 =	vmul.f32 v16, v10;
	v15 =	vsub.f32 v20, v5;
	[tilespmem:v1+s11+$0x0] =	vst.idx.msk $0xffff, v17  }
0x1a9: {  	[tilespmem:v2+s11+$0x0] =	vst.idx.msk $0xffff, v9  }
0x1aa: {  	v10 =	vmul.f32 v16, v10;
	v18 =	vsub.f32 v18, v19;
	[tilespmem:v3+s11+$0x0] =	vst.idx.msk $0xffff, v15  }
0x1ab: {  	v5 =	vadd.f32 v20, v5;
	[tilespmem:v0+s11+$0x0] =	vst.idx.msk $0xffff, v12  }
0x1ac: {  	v10 =	vadd.f32 v10, v14;
	[tilespmem:v4+s11+$0x0] =	vst.idx.msk $0xffff, v18  }
0x1ad: {  	[tilespmem:v6+s11+$0x0] =	vst.idx.msk $0xffff, v5  }
0x1ae: {  	[tilespmem:v7+s11+$0x0] =	vst.idx.msk $0xffff, v10  }
0x1af: {  	[tilespmem:v8+s11+$0x0] =	vst.idx.msk $0xffff, v13  }
0x1b0: {  	[hbm4b:s12+s6] =	stream.linear.scatter @p0 [tilespmem:s13], [sflag:$0x4], $0x280, $0x38;
	[tilespmem:$0x2780] =	vst v63  }
0x1b1: {  	_ =	swait.ge @p0 [sflag:s7], $0x280  }
0x1b2: {  	[sflag:s7] =	ssyncset.done @p0 $0x0  }
0x1b3: {  	[sflag:s7] =	ssyncadd.s32 @p0 $0xFFFFFD80  }
0x1b4: {  	[hbm4b:s14+s9] =	stream.linear.scatter @!p0 [tilespmem:s15], [sflag:$0x4], $0x400, $0x38;
	[tilespmem:$0x2780] =	vst v63  }
0x1b5: {  	_ =	swait.ge @!p0 [sflag:s10], $0x400  }
0x1b6: {  	[sflag:s10] =	ssyncset.done @!p0 $0x0  }
0x1b7: {  	[sflag:s10] =	ssyncadd.s32 @!p0 $0xFFFFFC00  }
0x1b8: {  	[bflag:$0x0] =	sbarrier.arrive $0xFFFF  }
0x1b9: {  	_ =	swait.ge [sflag:s16], $0x200  }
0x1ba: {  	[sflag:s16] =	ssyncset.done $0x0  }
0x1bb: {  	[sflag:s16] =	ssyncadd.s32 $0xFFFFFE00  }
0x1bc: {  	[tilespmem:s18], [sflag:$0x1] =	stream.indirect.gather [hbm4b:s2+s17], $0x10, s4, s17, $0xb8;
	[tilespmem:$0x2780] =	vst v63  }
0x1bd: {  	_ = 	snop  }
0x1be: {  	[tilespmem:s20], [sflag:$0x1] =	stream.indirect.gather [hbm4b:s2+s17], $0x10, s19, s17, $0xb8;
	[tilespmem:$0x2780] =	vst v63  }
0x1bf: {  	_ = 	snop  }
0x1c0: {  	[tilespmem:s22], [sflag:$0x1] =	stream.indirect.gather [hbm4b:s2+s17], $0x10, s21, s17, $0xb8;
	[tilespmem:$0x2780] =	vst v63  }
0x1c1: {  	_ = 	snop  }
0x1c2: {  	[tilespmem:s24], [sflag:$0x1] =	stream.indirect.gather [hbm4b:s2+s17], $0x10, s23, s17, $0xb8;
	[tilespmem:$0x2780] =	vst v63  }
0x1c3: {  	_ =	swait.ge [sflag:s25], $0x800  }
0x1c4: {  	[sflag:s25] =	ssyncset.done $0x0  }
0x1c5: {  	[sflag:s25] =	ssyncadd.s32 $0xFFFFF800  }
0x1c6: {  	[hbm4b:s26+s3] =	stream.linear.scatter [tilespmem:s18], [sflag:$0x2], $0x800, $0x38;
	[tilespmem:$0x2780] =	vst v63  }
0x1c7: {  	_ =	swait.ge [sflag:s25], $0x800  }
0x1c8: {  	[sflag:s25] =	ssyncset.done $0x0  }
0x1c9: {  	[sflag:s25] =	ssyncadd.s32 $0xFFFFF800  }
0x1ca: {  	[hbm4b:s28+s3] =	stream.linear.scatter [tilespmem:s20], [sflag:$0x2], $0x800, $0x38;
	[tilespmem:$0x2780] =	vst v63  }
0x1cb: {  	_ =	swait.ge [sflag:s25], $0x800  }
0x1cc: {  	[sflag:s25] =	ssyncset.done $0x0  }
0x1cd: {  	[sflag:s25] =	ssyncadd.s32 $0xFFFFF800  }
0x1ce: {  	[hbm4b:s29+s3] =	stream.linear.scatter [tilespmem:s22], [sflag:$0x2], $0x800, $0x38;
	[tilespmem:$0x2780] =	vst v63  }
0x1cf: {  	_ =	swait.ge [sflag:s25], $0x800  }
0x1d0: {  	s1 =	sadd.s32 $0xFFFFFFFF, s1;
	[sflag:s25] =	ssyncset.done $0x0  }
0x1d1: {  	p1 =	sne.s32 s1, $0x0;
	[sflag:s25] =	ssyncadd.s32 $0xFFFFF800  }
0x1d2: {  	[hbm4b:s31+s3] =	stream.linear.scatter [tilespmem:s24], [sflag:$0x2], $0x800, $0x38;
	[tilespmem:$0x2780] =	vst v63  }
.Ltmp1:
0x1d3: {  	_ =	swait.ge [sflag:s30], $0x800;
	(pc) =	sbr.rel @p1 .LBB2_2-.Ltmp1, $4  }
0x1d4: {  	[sflag:s30] =	ssyncset.done $0x0  }
0x1d5: {  	[sflag:s30] =	ssyncadd.s32 $0xFFFFF800  }
0x1d6: {  	_ =	swait.ge [sflag:s30], $0x800  }
0x1d7: {  	[sflag:s30] =	ssyncset.done $0x0  }
.LBB2_3:
0x1d8: {  	[sflag:s30] =	ssyncadd.s32 $0xFFFFF800  }
0x1d9: {  	_ =	swait.ge [sflag:s30], $0x800  }
0x1da: {  	[sflag:s30] =	ssyncset.done $0x0  }
0x1db: {  	[sflag:s30] =	ssyncadd.s32 $0xFFFFF800  }
0x1dc: {  	_ =	swait.ge [sflag:s30], $0x800  }
0x1dd: {  	[sflag:s30] =	ssyncset.done $0x0  }
0x1de: {  	[sflag:s30] =	ssyncadd.s32 $0xFFFFF800  }
0x1df: {  	_ =	sfence.sel $0x180000  }
0x1e0: {  	[bflag:$0x0] =	sbarrier.arrive $0xFFFF  }
0x1e1: {  	_ =	strace $0x90000047  }
0x1e2: {  	s0 =	stileid.u32;
	[bflag:$0x2] =	sbarrier.arrive $0xFFFF  }
0x1e3: {  	p0 =	sne.s32 s0, $0x0;
	s0 =	rddreg [dreg:$0x3]  }
0x1e4: {  	s0 =	sadd.s32 @!p0 $0x100000, s0  }
0x1e5: {  	[sflag:s0] =	ssyncadd.tile.s32 @!p0 $0x1;
	_ =	shalt  }
.Lfunc_end2:
_tile_overlayer_lowered:
.L_overlay_start_2:
0x1e6: {  	(tag) =	ssettag $0x2  }
0x1e7: {  	s0 =	rddreg [dreg:$0x0];
	s2 =	stileid.u32  }
0x1e8: {  	s1 =	rddreg [dreg:$0x1];
	p0 =	sne.s32 s2, $0x0  }
0x1e9: {  	s3 =	rddreg [dreg:$0x2];
	[bflag:$0x3] =	sbarrier.arrive $0xFFFF;
	s2 =	simm.s32 @!p0 $0x1C04  }
0x1ea: {  	[timem:s3], [sflag:s2] =	dma.local @!p0 [hbm:s0], s1  }
0x1eb: {  	s0 =	simm.s32 @!p0 $0x4  }
0x1ec: {  	_ =	swait.ge @!p0 [sflag:s0], s1  }
0x1ed: {  	s1 =	ssub.s32 @!p0 $0x0, s1;
	[sflag:s0] =	ssyncset.done @!p0 $0x0  }
0x1ee: {  	[sflag:s0] =	ssyncadd.s32 @!p0 s1  }
0x1ef: {  	[bflag:$0x3] =	sbarrier.arrive $0xFFFF  }
0x1f0: {  	_ =	shalt  }

</sc_bundles>
